<compile_context>
chip_gen: v7x
topology: tpu7x:2x2x1
jax: 0.10.2.dev20260603
libtpu: 0.0.44.dev20260713+nightly
codegen_flags: <defaults>
</compile_context>

<pallas_src>
import functools

import jax
import jax.numpy as jnp
from jax import lax
from jax.experimental import pallas as pl
from jax.experimental.pallas import tpu as pltpu
from jax.experimental.pallas import tpu_sc as plsc

N = 10000
E = 320000
D = 128

NC = 2
NS = 16
NW = NC * NS

CHUNK = 80
EW = E // NW
NCHUNK = EW // CHUNK
NP = 10112
ROWS_PER_TILE = NP // NS

def _sc_agg_body(src_hbm, dst_hbm, h_hbm, zrows_hbm, agg_out,
                 src_v, dst_v, rows_v, acc_sh, sem):
    cid = lax.axis_index("c")
    sid = lax.axis_index("s")
    wid = sid * NC + cid
    base = sid * ROWS_PER_TILE

    pltpu.sync_copy(zrows_hbm, acc_sh.at[pl.ds(base, ROWS_PER_TILE)])

    pltpu.sync_copy(src_hbm.at[wid], src_v)
    pltpu.sync_copy(dst_hbm.at[wid], dst_v)

    plsc.subcore_barrier()

    def _edge_chunk(k, _):
        pltpu.async_copy(h_hbm.at[src_v.at[k]], rows_v, sem).wait()
        pltpu.sync_copy(rows_v, acc_sh.at[dst_v.at[k]], add=True)
        return 0

    lax.fori_loop(0, NCHUNK, _edge_chunk, 0)

    plsc.subcore_barrier()

    pltpu.sync_copy(acc_sh.at[pl.ds(base, ROWS_PER_TILE)],
                    agg_out.at[cid, pl.ds(base, ROWS_PER_TILE)])


def _sc_deg_body(dst_hbm, zrows_hbm, ones_hbm, deg_out,
                 dst_v, ones_v, acc_sh):
    cid = lax.axis_index("c")
    sid = lax.axis_index("s")
    wid = sid * NC + cid
    base = sid * ROWS_PER_TILE

    pltpu.sync_copy(zrows_hbm, acc_sh.at[pl.ds(base, ROWS_PER_TILE)])
    pltpu.sync_copy(dst_hbm.at[wid], dst_v)
    pltpu.sync_copy(ones_hbm, ones_v)

    plsc.subcore_barrier()

    def _edge_chunk(k, _):
        pltpu.sync_copy(ones_v, acc_sh.at[dst_v.at[k]], add=True)
        return 0

    lax.fori_loop(0, NCHUNK, _edge_chunk, 0)

    plsc.subcore_barrier()

    pltpu.sync_copy(acc_sh.at[pl.ds(base, ROWS_PER_TILE)],
                    deg_out.at[cid, pl.ds(base, ROWS_PER_TILE)])


@functools.cache
def _sc_kernels():
    mesh = plsc.VectorSubcoreMesh(core_axis_name="c", subcore_axis_name="s",
                                  num_cores=NC, num_subcores=NS)
    sc_agg = pl.kernel(
        _sc_agg_body,
        out_type=jax.ShapeDtypeStruct((NC, NP, D), jnp.float32),
        mesh=mesh,
        scratch_types=[
            pltpu.VMEM((NCHUNK, CHUNK), jnp.int32),
            pltpu.VMEM((NCHUNK, CHUNK), jnp.int32),
            pltpu.VMEM((CHUNK, D), jnp.float32),
            pltpu.VMEM_SHARED((NP, D), jnp.float32),
            pltpu.SemaphoreType.DMA,
        ],
    )
    sc_deg = pl.kernel(
        _sc_deg_body,
        out_type=jax.ShapeDtypeStruct((NC, NP, D), jnp.float32),
        mesh=mesh,
        scratch_types=[
            pltpu.VMEM((NCHUNK, CHUNK), jnp.int32),
            pltpu.VMEM((CHUNK, D), jnp.float32),
            pltpu.VMEM_SHARED((NP, D), jnp.float32),
        ],
    )
    return sc_agg, sc_deg


BLK = 400
GRID = N // BLK


def _dense_body(apply_relu, h_ref, agg_ref, deg_ref, w_ref, b_ref, o_ref):
    deg = deg_ref[0, :, 0:1] + deg_ref[1, :, 0:1]
    denom = jnp.maximum(deg, 1.0)
    agg = (agg_ref[0] + agg_ref[1]) / denom
    h = h_ref[...]
    w = w_ref[...]
    x = lax.dot_general(h, w[:, :D], (((1,), (1,)), ((), ())),
                        preferred_element_type=jnp.float32)
    x = x + lax.dot_general(agg, w[:, D:], (((1,), (1,)), ((), ())),
                            preferred_element_type=jnp.float32)
    x = x + b_ref[...]
    if apply_relu:
        x = jnp.where(x > 0, x, 0.01 * x)
    nrm = jnp.sqrt(jnp.sum(x * x, axis=1, keepdims=True))
    o_ref[...] = x / jnp.maximum(nrm, 1e-6)


def _dense(h, aggP, degP, W, b, apply_relu):
    return pl.pallas_call(
        functools.partial(_dense_body, apply_relu),
        grid=(GRID,),
        in_specs=[
            pl.BlockSpec((BLK, D), lambda i: (i, 0)),
            pl.BlockSpec((NC, BLK, D), lambda i: (0, i, 0)),
            pl.BlockSpec((NC, BLK, D), lambda i: (0, i, 0)),
            pl.BlockSpec((D, 2 * D), lambda i: (0, 0)),
            pl.BlockSpec((1, D), lambda i: (0, 0)),
        ],
        out_specs=pl.BlockSpec((BLK, D), lambda i: (i, 0)),
        out_shape=jax.ShapeDtypeStruct((N, D), jnp.float32),
    )(h, aggP, degP, W, b)


def kernel(edge_index, node_emb, W0, b0, W1, b1, W2, b2):
    src = edge_index[0].reshape(NW, NCHUNK, CHUNK)
    dst = edge_index[1].reshape(NW, NCHUNK, CHUNK)
    h = node_emb[1:]
    zrows = jnp.zeros((ROWS_PER_TILE, D), jnp.float32)
    ones = jnp.ones((CHUNK, D), jnp.float32)

    _sc_agg, _sc_deg = _sc_kernels()
    degP = _sc_deg(dst, zrows, ones)
    aggP = _sc_agg(src, dst, h, zrows)
    h = _dense(h, aggP, degP, W0, b0.reshape(1, D), True)
    aggP = _sc_agg(src, dst, h, zrows)
    h = _dense(h, aggP, degP, W1, b1.reshape(1, D), True)
    aggP = _sc_agg(src, dst, h, zrows)
    h = _dense(h, aggP, degP, W2, b2.reshape(1, D), False)
    return h

# --- scband reference (transcript-rebuilt; emitter-appended) ---
"""Pipeline reference for scband-graph-sage-with-sampling-18339510354450 (READ-ONLY COPY).

The authoritative reference and input builder live on the scoring server;
editing this copy changes nothing except your own understanding.
"""

import jax, jax.numpy as jnp
import numpy as np

N = 10000
E = 320000
D = 128
L = 3


def _xavier_uniform(key, shape, gain):
    fan_out, fan_in = shape
    limit = gain * np.sqrt(6.0 / (fan_in + fan_out))
    return jax.random.uniform(key, shape, minval=-limit, maxval=limit, dtype=jnp.float32)


def setup_inputs(seed: int = 0) -> dict:
    key = jax.random.key(seed)
    ks = jax.random.split(key, 8)
    edge_index = jax.random.randint(ks[0], (2, E), 0, N, dtype=jnp.int32)
    # node_emb: Embedding(N+1, D), init normal(std=1/D)
    node_emb = jax.random.normal(ks[1], (N + 1, D), dtype=jnp.float32) * (1.0 / D)
    gain_lrelu = float(np.sqrt(2.0 / (1.0 + 0.01 ** 2)))
    # convs 0,1: non-prediction layers -> xavier_uniform with leaky_relu gain
    W0 = _xavier_uniform(ks[2], (D, 2 * D), gain_lrelu)
    b0 = jnp.zeros((D,), dtype=jnp.float32)
    W1 = _xavier_uniform(ks[3], (D, 2 * D), gain_lrelu)
    b1 = jnp.zeros((D,), dtype=jnp.float32)
    # conv 2: prediction layer -> xavier_uniform with linear gain (1.0), no LeakyReLU after
    W2 = _xavier_uniform(ks[4], (D, 2 * D), 1.0)
    b2 = jnp.zeros((D,), dtype=jnp.float32)
    return {"edge_index": edge_index, "node_emb": node_emb,
            "W0": W0, "b0": b0, "W1": W1, "b1": b1, "W2": W2, "b2": b2}


def reference(edge_index, node_emb, W0, b0, W1, b1, W2, b2):
    # Eval mode: GaussianNoise is identity (self.training == False).
    src = edge_index[0]
    dst = edge_index[1]
    # nf.layers[i].data['h'] = node_emb(parent_nid + 1)
    nid = jnp.arange(N, dtype=jnp.int32)
    h = jnp.take(node_emb, nid + 1, axis=0)
    params = [(W0, b0), (W1, b1), (W2, b2)]
    ones_e = jnp.ones((E,), dtype=jnp.float32)
    for i, (W, b) in enumerate(params):
        # msg = copy_src('h'), copy_src('one'); red = sum -> h_agg, sum -> w
        # self node included in its own neighborhood (nodeflow includes self copy)
        h_agg = jax.ops.segment_sum(jnp.take(h, src, axis=0), dst, num_segments=N) + h
        w = jax.ops.segment_sum(ones_e, dst, num_segments=N) + 1.0
        # GraphSageConvWithSampling.forward
        h_agg = (h_agg - h) / jnp.clip(w - 1.0, 1.0, None)[:, None]
        h_concat = jnp.concatenate([h, h_agg], axis=1)
        h_new = h_concat @ W.T + b
        if i < L - 1:
            h_new = jax.nn.leaky_relu(h_new, 0.01)
        norm = jnp.linalg.norm(h_new, axis=1, keepdims=True)
        h = h_new / jnp.clip(norm, 1e-6, None)
    return h

if __name__ == "__main__":
    import jax
    _d = setup_inputs()
    print(jax.jit(kernel)(*tuple(_d.values())))

</pallas_src>

<mosaic_0001>
#map = affine_map<(d0, d1) -> (0, 0, 0)>
#map1 = affine_map<(d0, d1) -> (0, 0)>
module attributes {stable_mosaic.version = 14 : i64} {
  func.func @_sc_agg_body(%arg0: i32, %arg1: i32, %arg2: memref<32x125x80xi32, #tpu.memory_space<hbm>>, %arg3: memref<32x125x80xi32, #tpu.memory_space<hbm>>, %arg4: memref<10000x128xf32, #tpu.memory_space<hbm>>, %arg5: memref<632x128xf32, #tpu.memory_space<hbm>>, %arg6: memref<2x10112x128xf32, #tpu.memory_space<hbm>>, %arg7: memref<125x80xi32, #tpu.memory_space<vmem>>, %arg8: memref<125x80xi32, #tpu.memory_space<vmem>>, %arg9: memref<80x128xf32, #tpu.memory_space<vmem>>, %arg10: memref<10112x128xf32, #tpu.memory_space<vmem_shared>>, %arg11: memref<!tpu.dma_semaphore, #tpu.memory_space<semaphore_mem>>) attributes {dimension_semantics = [#tpu.dimension_semantics<core_parallel>, #tpu.dimension_semantics<subcore_parallel>], iteration_bounds = array<i64: 2, 16>, scalar_prefetch = 0 : i64, scratch_operands = 5 : i64, tpu.core_type = #tpu.core_type<sc_vector_subcore>, window_params = [{transform_indices = #map}, {transform_indices = #map}, {transform_indices = #map1}, {transform_indices = #map1}, {transform_indices = #map}]} {
    %mul3A = arith.constant 2 : i32
    %mul3A_0 = arith.muli %arg1, %mul3A : i32
    %add3A = arith.addi %mul3A_0, %arg0 : i32
    %mul3A_1 = arith.constant 632 : i32
    %mul3A_2 = arith.muli %arg1, %mul3A_1 : i32
    "tpu.region"() ({
      %run_scoped3A = tpu.sem_alloc : memref<!tpu.dma_semaphore, #tpu.memory_space<semaphore_mem>>
      %dma_start3A = arith.constant 0 : i32
      %dma_start3A_10 = tpu.memref_slice %arg10[%mul3A_2, %dma_start3A] : memref<10112x128xf32, #tpu.memory_space<vmem_shared>> -> memref<632x128xf32, #tpu.memory_space<vmem_shared>>
      tpu.enqueue_dma source(%arg5 : memref<632x128xf32, #tpu.memory_space<hbm>>) target(%dma_start3A_10 : memref<632x128xf32, #tpu.memory_space<vmem_shared>>) target_semaphore(%run_scoped3A : memref<!tpu.dma_semaphore, #tpu.memory_space<semaphore_mem>>)
      %dma_wait3A = arith.constant 0 : i32
      %dma_wait3A_11 = tpu.memref_slice %arg10[%mul3A_2, %dma_wait3A] : memref<10112x128xf32, #tpu.memory_space<vmem_shared>> -> memref<632x128xf32, #tpu.memory_space<vmem_shared>>
      tpu.wait_dma2 semaphore(%run_scoped3A : memref<!tpu.dma_semaphore, #tpu.memory_space<semaphore_mem>>) src(%arg5 : memref<632x128xf32, #tpu.memory_space<hbm>>) dst(%dma_wait3A_11 : memref<632x128xf32, #tpu.memory_space<vmem_shared>>)
      tpu.yield
    }) : () -> ()
    "tpu.region"() ({
      %run_scoped3A = tpu.sem_alloc : memref<!tpu.dma_semaphore, #tpu.memory_space<semaphore_mem>>
      %dma_start3A = arith.constant 0 : i32
      %dma_start3A_10 = arith.constant 0 : i32
      %dma_start3A_11 = tpu.memref_slice %arg2[%add3A, %dma_start3A, %dma_start3A_10] : memref<32x125x80xi32, #tpu.memory_space<hbm>> -> memref<1x125x80xi32, #tpu.memory_space<hbm>>
      %dma_start3A_12 = tpu.memref_squeeze %dma_start3A_11 : memref<1x125x80xi32, #tpu.memory_space<hbm>> -> memref<125x80xi32, #tpu.memory_space<hbm>>
      %dma_start3A_13 = arith.constant 0 : i32
      %dma_start3A_14 = arith.constant 0 : i32
      %dma_start3A_15 = tpu.memref_slice %arg2[%add3A, %dma_start3A_13, %dma_start3A_14] : memref<32x125x80xi32, #tpu.memory_space<hbm>> -> memref<1x125x80xi32, #tpu.memory_space<hbm>>
      %dma_start3A_16 = tpu.memref_squeeze %dma_start3A_15 : memref<1x125x80xi32, #tpu.memory_space<hbm>> -> memref<125x80xi32, #tpu.memory_space<hbm>>
      tpu.enqueue_dma source(%dma_start3A_16 : memref<125x80xi32, #tpu.memory_space<hbm>>) target(%arg7 : memref<125x80xi32, #tpu.memory_space<vmem>>) target_semaphore(%run_scoped3A : memref<!tpu.dma_semaphore, #tpu.memory_space<semaphore_mem>>)
      %dma_wait3A = arith.constant 0 : i32
      %dma_wait3A_17 = arith.constant 0 : i32
      %dma_wait3A_18 = tpu.memref_slice %arg2[%add3A, %dma_wait3A, %dma_wait3A_17] : memref<32x125x80xi32, #tpu.memory_space<hbm>> -> memref<1x125x80xi32, #tpu.memory_space<hbm>>
      %dma_wait3A_19 = tpu.memref_squeeze %dma_wait3A_18 : memref<1x125x80xi32, #tpu.memory_space<hbm>> -> memref<125x80xi32, #tpu.memory_space<hbm>>
      %dma_wait3A_20 = arith.constant 0 : i32
      %dma_wait3A_21 = arith.constant 0 : i32
      %dma_wait3A_22 = tpu.memref_slice %arg2[%add3A, %dma_wait3A_20, %dma_wait3A_21] : memref<32x125x80xi32, #tpu.memory_space<hbm>> -> memref<1x125x80xi32, #tpu.memory_space<hbm>>
      %dma_wait3A_23 = tpu.memref_squeeze %dma_wait3A_22 : memref<1x125x80xi32, #tpu.memory_space<hbm>> -> memref<125x80xi32, #tpu.memory_space<hbm>>
      tpu.wait_dma2 semaphore(%run_scoped3A : memref<!tpu.dma_semaphore, #tpu.memory_space<semaphore_mem>>) src(%dma_wait3A_23 : memref<125x80xi32, #tpu.memory_space<hbm>>) dst(%arg7 : memref<125x80xi32, #tpu.memory_space<vmem>>)
      tpu.yield
    }) : () -> ()
    "tpu.region"() ({
      %run_scoped3A = tpu.sem_alloc : memref<!tpu.dma_semaphore, #tpu.memory_space<semaphore_mem>>
      %dma_start3A = arith.constant 0 : i32
      %dma_start3A_10 = arith.constant 0 : i32
      %dma_start3A_11 = tpu.memref_slice %arg3[%add3A, %dma_start3A, %dma_start3A_10] : memref<32x125x80xi32, #tpu.memory_space<hbm>> -> memref<1x125x80xi32, #tpu.memory_space<hbm>>
      %dma_start3A_12 = tpu.memref_squeeze %dma_start3A_11 : memref<1x125x80xi32, #tpu.memory_space<hbm>> -> memref<125x80xi32, #tpu.memory_space<hbm>>
      %dma_start3A_13 = arith.constant 0 : i32
      %dma_start3A_14 = arith.constant 0 : i32
      %dma_start3A_15 = tpu.memref_slice %arg3[%add3A, %dma_start3A_13, %dma_start3A_14] : memref<32x125x80xi32, #tpu.memory_space<hbm>> -> memref<1x125x80xi32, #tpu.memory_space<hbm>>
      %dma_start3A_16 = tpu.memref_squeeze %dma_start3A_15 : memref<1x125x80xi32, #tpu.memory_space<hbm>> -> memref<125x80xi32, #tpu.memory_space<hbm>>
      tpu.enqueue_dma source(%dma_start3A_16 : memref<125x80xi32, #tpu.memory_space<hbm>>) target(%arg8 : memref<125x80xi32, #tpu.memory_space<vmem>>) target_semaphore(%run_scoped3A : memref<!tpu.dma_semaphore, #tpu.memory_space<semaphore_mem>>)
      %dma_wait3A = arith.constant 0 : i32
      %dma_wait3A_17 = arith.constant 0 : i32
      %dma_wait3A_18 = tpu.memref_slice %arg3[%add3A, %dma_wait3A, %dma_wait3A_17] : memref<32x125x80xi32, #tpu.memory_space<hbm>> -> memref<1x125x80xi32, #tpu.memory_space<hbm>>
      %dma_wait3A_19 = tpu.memref_squeeze %dma_wait3A_18 : memref<1x125x80xi32, #tpu.memory_space<hbm>> -> memref<125x80xi32, #tpu.memory_space<hbm>>
      %dma_wait3A_20 = arith.constant 0 : i32
      %dma_wait3A_21 = arith.constant 0 : i32
      %dma_wait3A_22 = tpu.memref_slice %arg3[%add3A, %dma_wait3A_20, %dma_wait3A_21] : memref<32x125x80xi32, #tpu.memory_space<hbm>> -> memref<1x125x80xi32, #tpu.memory_space<hbm>>
      %dma_wait3A_23 = tpu.memref_squeeze %dma_wait3A_22 : memref<1x125x80xi32, #tpu.memory_space<hbm>> -> memref<125x80xi32, #tpu.memory_space<hbm>>
      tpu.wait_dma2 semaphore(%run_scoped3A : memref<!tpu.dma_semaphore, #tpu.memory_space<semaphore_mem>>) src(%dma_wait3A_23 : memref<125x80xi32, #tpu.memory_space<hbm>>) dst(%arg8 : memref<125x80xi32, #tpu.memory_space<vmem>>)
      tpu.yield
    }) : () -> ()
    %barrier3A = arith.constant 0 : index
    tpu.barrier barrier_id(%barrier3A)
    %scan3A = arith.constant 0 : i32
    %scan3A_3 = arith.constant 0 : i32
    %scan3A_4 = arith.constant 125 : i32
    %scan3A_5 = arith.addi %scan3A_3, %scan3A_4 : i32
    %scan3A_6 = arith.constant 1 : i32
    %scan3A_7 = scf.for %scan3A_10 = %scan3A_3 to %scan3A_5 step %scan3A_6 iter_args(%scan3A_11 = %scan3A) -> (i32)  : i32 {
      %dma_start3A = arith.constant 0 : i32
      %dma_start3A_12 = tpu.memref_slice %arg7[%scan3A_10, %dma_start3A] : memref<125x80xi32, #tpu.memory_space<vmem>> -> memref<1x80xi32, #tpu.memory_space<vmem>>
      %dma_start3A_13 = tpu.memref_squeeze %dma_start3A_12 : memref<1x80xi32, #tpu.memory_space<vmem>> -> memref<80xi32, #tpu.memory_space<vmem>>
      %dma_start3A_14 = arith.constant 0 : i32
      %dma_start3A_15 = arith.constant 0 : i32
      %dma_start3A_16 = tpu.memref_slice %arg4[%dma_start3A_14, %dma_start3A_15] : memref<10000x128xf32, #tpu.memory_space<hbm>> -> memref<10000x128xf32, #tpu.memory_space<hbm>>
      tpu.enqueue_indirect_dma source(%dma_start3A_16 : memref<10000x128xf32, #tpu.memory_space<hbm>>) target(%arg9 : memref<80x128xf32, #tpu.memory_space<vmem>>) offsets(%dma_start3A_13 : memref<80xi32, #tpu.memory_space<vmem>>) semaphore(%arg11 : memref<!tpu.dma_semaphore, #tpu.memory_space<semaphore_mem>>)
      %dma_wait3A = arith.constant 0 : i32
      %dma_wait3A_17 = tpu.memref_slice %arg7[%scan3A_10, %dma_wait3A] : memref<125x80xi32, #tpu.memory_space<vmem>> -> memref<1x80xi32, #tpu.memory_space<vmem>>
      %dma_wait3A_18 = tpu.memref_squeeze %dma_wait3A_17 : memref<1x80xi32, #tpu.memory_space<vmem>> -> memref<80xi32, #tpu.memory_space<vmem>>
      %dma_wait3A_19 = arith.constant 0 : i32
      %dma_wait3A_20 = arith.constant 0 : i32
      %dma_wait3A_21 = tpu.memref_slice %arg4[%dma_wait3A_19, %dma_wait3A_20] : memref<10000x128xf32, #tpu.memory_space<hbm>> -> memref<10000x128xf32, #tpu.memory_space<hbm>>
      tpu.wait_indirect_dma semaphore(%arg11 : memref<!tpu.dma_semaphore, #tpu.memory_space<semaphore_mem>>) src(%dma_wait3A_21 : memref<10000x128xf32, #tpu.memory_space<hbm>>) dst(%arg9 : memref<80x128xf32, #tpu.memory_space<vmem>>)
      "tpu.region"() ({
        %run_scoped3A = tpu.sem_alloc : memref<!tpu.dma_semaphore, #tpu.memory_space<semaphore_mem>>
        %dma_start3A_23 = arith.constant 0 : i32
        %dma_start3A_24 = tpu.memref_slice %arg8[%scan3A_10, %dma_start3A_23] : memref<125x80xi32, #tpu.memory_space<vmem>> -> memref<1x80xi32, #tpu.memory_space<vmem>>
        %dma_start3A_25 = tpu.memref_squeeze %dma_start3A_24 : memref<1x80xi32, #tpu.memory_space<vmem>> -> memref<80xi32, #tpu.memory_space<vmem>>
        %dma_start3A_26 = arith.constant 0 : i32
        %dma_start3A_27 = arith.constant 0 : i32
        %dma_start3A_28 = tpu.memref_slice %arg10[%dma_start3A_26, %dma_start3A_27] : memref<10112x128xf32, #tpu.memory_space<vmem_shared>> -> memref<10112x128xf32, #tpu.memory_space<vmem_shared>>
        tpu.enqueue_indirect_dma source(%arg9 : memref<80x128xf32, #tpu.memory_space<vmem>>) target(%dma_start3A_28 : memref<10112x128xf32, #tpu.memory_space<vmem_shared>>) offsets(%dma_start3A_25 : memref<80xi32, #tpu.memory_space<vmem>>) semaphore(%run_scoped3A : memref<!tpu.dma_semaphore, #tpu.memory_space<semaphore_mem>>) {add = true}
        %dma_wait3A_29 = arith.constant 0 : i32
        %dma_wait3A_30 = tpu.memref_slice %arg8[%scan3A_10, %dma_wait3A_29] : memref<125x80xi32, #tpu.memory_space<vmem>> -> memref<1x80xi32, #tpu.memory_space<vmem>>
        %dma_wait3A_31 = tpu.memref_squeeze %dma_wait3A_30 : memref<1x80xi32, #tpu.memory_space<vmem>> -> memref<80xi32, #tpu.memory_space<vmem>>
        %dma_wait3A_32 = arith.constant 0 : i32
        %dma_wait3A_33 = arith.constant 0 : i32
        %dma_wait3A_34 = tpu.memref_slice %arg10[%dma_wait3A_32, %dma_wait3A_33] : memref<10112x128xf32, #tpu.memory_space<vmem_shared>> -> memref<10112x128xf32, #tpu.memory_space<vmem_shared>>
        tpu.wait_indirect_dma semaphore(%run_scoped3A : memref<!tpu.dma_semaphore, #tpu.memory_space<semaphore_mem>>) src(%arg9 : memref<80x128xf32, #tpu.memory_space<vmem>>) dst(%dma_wait3A_34 : memref<10112x128xf32, #tpu.memory_space<vmem_shared>>)
        tpu.yield
      }) : () -> ()
      %scan3A_22 = arith.constant 0 : i32
      scf.yield %scan3A_22 : i32
    }
    %scan3A_8 = arith.constant 125 : i32
    %barrier3A_9 = arith.constant 0 : index
    tpu.barrier barrier_id(%barrier3A_9)
    "tpu.region"() ({
      %run_scoped3A = tpu.sem_alloc : memref<!tpu.dma_semaphore, #tpu.memory_space<semaphore_mem>>
      %dma_start3A = arith.constant 0 : i32
      %dma_start3A_10 = tpu.memref_slice %arg6[%arg0, %mul3A_2, %dma_start3A] : memref<2x10112x128xf32, #tpu.memory_space<hbm>> -> memref<1x632x128xf32, #tpu.memory_space<hbm>>
      %dma_start3A_11 = tpu.memref_squeeze %dma_start3A_10 : memref<1x632x128xf32, #tpu.memory_space<hbm>> -> memref<632x128xf32, #tpu.memory_space<hbm>>
      %dma_start3A_12 = arith.constant 0 : i32
      %dma_start3A_13 = tpu.memref_slice %arg10[%mul3A_2, %dma_start3A_12] : memref<10112x128xf32, #tpu.memory_space<vmem_shared>> -> memref<632x128xf32, #tpu.memory_space<vmem_shared>>
      tpu.enqueue_dma source(%dma_start3A_13 : memref<632x128xf32, #tpu.memory_space<vmem_shared>>) target(%dma_start3A_11 : memref<632x128xf32, #tpu.memory_space<hbm>>) target_semaphore(%run_scoped3A : memref<!tpu.dma_semaphore, #tpu.memory_space<semaphore_mem>>)
      %dma_wait3A = arith.constant 0 : i32
      %dma_wait3A_14 = tpu.memref_slice %arg6[%arg0, %mul3A_2, %dma_wait3A] : memref<2x10112x128xf32, #tpu.memory_space<hbm>> -> memref<1x632x128xf32, #tpu.memory_space<hbm>>
      %dma_wait3A_15 = tpu.memref_squeeze %dma_wait3A_14 : memref<1x632x128xf32, #tpu.memory_space<hbm>> -> memref<632x128xf32, #tpu.memory_space<hbm>>
      %dma_wait3A_16 = arith.constant 0 : i32
      %dma_wait3A_17 = tpu.memref_slice %arg10[%mul3A_2, %dma_wait3A_16] : memref<10112x128xf32, #tpu.memory_space<vmem_shared>> -> memref<632x128xf32, #tpu.memory_space<vmem_shared>>
      tpu.wait_dma2 semaphore(%run_scoped3A : memref<!tpu.dma_semaphore, #tpu.memory_space<semaphore_mem>>) src(%dma_wait3A_17 : memref<632x128xf32, #tpu.memory_space<vmem_shared>>) dst(%dma_wait3A_15 : memref<632x128xf32, #tpu.memory_space<hbm>>)
      tpu.yield
    }) : () -> ()
    return
  }
}

#map = affine_map<(d0, d1) -> (0, 0, 0)>
#map1 = affine_map<(d0, d1) -> (0, 0)>
module attributes {stable_mosaic.version = 14 : i64} {
  func.func @_sc_agg_body(%arg0: i32, %arg1: i32, %arg2: memref<32x125x80xi32, #tpu.memory_space<hbm>>, %arg3: memref<32x125x80xi32, #tpu.memory_space<hbm>>, %arg4: memref<10000x128xf32, #tpu.memory_space<hbm>>, %arg5: memref<632x128xf32, #tpu.memory_space<hbm>>, %arg6: memref<2x10112x128xf32, #tpu.memory_space<hbm>>, %arg7: memref<125x80xi32, #tpu.memory_space<vmem>>, %arg8: memref<125x80xi32, #tpu.memory_space<vmem>>, %arg9: memref<80x128xf32, #tpu.memory_space<vmem>>, %arg10: memref<10112x128xf32, #tpu.memory_space<vmem_shared>>, %arg11: memref<!tpu.dma_semaphore, #tpu.memory_space<semaphore_mem>>) attributes {dimension_semantics = [#tpu.dimension_semantics<core_parallel>, #tpu.dimension_semantics<subcore_parallel>], iteration_bounds = array<i64: 2, 16>, scalar_prefetch = 0 : i64, scratch_operands = 5 : i64, tpu.core_type = #tpu.core_type<sc_vector_subcore>, window_params = [{transform_indices = #map}, {transform_indices = #map}, {transform_indices = #map1}, {transform_indices = #map1}, {transform_indices = #map}]} {
    %mul3A = arith.constant 2 : i32
    %mul3A_0 = arith.muli %arg1, %mul3A : i32
    %add3A = arith.addi %mul3A_0, %arg0 : i32
    %mul3A_1 = arith.constant 632 : i32
    %mul3A_2 = arith.muli %arg1, %mul3A_1 : i32
    "tpu.region"() ({
      %run_scoped3A = tpu.sem_alloc : memref<!tpu.dma_semaphore, #tpu.memory_space<semaphore_mem>>
      %dma_start3A = arith.constant 0 : i32
      %dma_start3A_10 = tpu.memref_slice %arg10[%mul3A_2, %dma_start3A] : memref<10112x128xf32, #tpu.memory_space<vmem_shared>> -> memref<632x128xf32, #tpu.memory_space<vmem_shared>>
      tpu.enqueue_dma source(%arg5 : memref<632x128xf32, #tpu.memory_space<hbm>>) target(%dma_start3A_10 : memref<632x128xf32, #tpu.memory_space<vmem_shared>>) target_semaphore(%run_scoped3A : memref<!tpu.dma_semaphore, #tpu.memory_space<semaphore_mem>>)
      %dma_wait3A = arith.constant 0 : i32
      %dma_wait3A_11 = tpu.memref_slice %arg10[%mul3A_2, %dma_wait3A] : memref<10112x128xf32, #tpu.memory_space<vmem_shared>> -> memref<632x128xf32, #tpu.memory_space<vmem_shared>>
      tpu.wait_dma2 semaphore(%run_scoped3A : memref<!tpu.dma_semaphore, #tpu.memory_space<semaphore_mem>>) src(%arg5 : memref<632x128xf32, #tpu.memory_space<hbm>>) dst(%dma_wait3A_11 : memref<632x128xf32, #tpu.memory_space<vmem_shared>>)
      tpu.yield
    }) : () -> ()
    "tpu.region"() ({
      %run_scoped3A = tpu.sem_alloc : memref<!tpu.dma_semaphore, #tpu.memory_space<semaphore_mem>>
      %dma_start3A = arith.constant 0 : i32
      %dma_start3A_10 = arith.constant 0 : i32
      %dma_start3A_11 = tpu.memref_slice %arg2[%add3A, %dma_start3A, %dma_start3A_10] : memref<32x125x80xi32, #tpu.memory_space<hbm>> -> memref<1x125x80xi32, #tpu.memory_space<hbm>>
      %dma_start3A_12 = tpu.memref_squeeze %dma_start3A_11 : memref<1x125x80xi32, #tpu.memory_space<hbm>> -> memref<125x80xi32, #tpu.memory_space<hbm>>
      %dma_start3A_13 = arith.constant 0 : i32
      %dma_start3A_14 = arith.constant 0 : i32
      %dma_start3A_15 = tpu.memref_slice %arg2[%add3A, %dma_start3A_13, %dma_start3A_14] : memref<32x125x80xi32, #tpu.memory_space<hbm>> -> memref<1x125x80xi32, #tpu.memory_space<hbm>>
      %dma_start3A_16 = tpu.memref_squeeze %dma_start3A_15 : memref<1x125x80xi32, #tpu.memory_space<hbm>> -> memref<125x80xi32, #tpu.memory_space<hbm>>
      tpu.enqueue_dma source(%dma_start3A_16 : memref<125x80xi32, #tpu.memory_space<hbm>>) target(%arg7 : memref<125x80xi32, #tpu.memory_space<vmem>>) target_semaphore(%run_scoped3A : memref<!tpu.dma_semaphore, #tpu.memory_space<semaphore_mem>>)
      %dma_wait3A = arith.constant 0 : i32
      %dma_wait3A_17 = arith.constant 0 : i32
      %dma_wait3A_18 = tpu.memref_slice %arg2[%add3A, %dma_wait3A, %dma_wait3A_17] : memref<32x125x80xi32, #tpu.memory_space<hbm>> -> memref<1x125x80xi32, #tpu.memory_space<hbm>>
      %dma_wait3A_19 = tpu.memref_squeeze %dma_wait3A_18 : memref<1x125x80xi32, #tpu.memory_space<hbm>> -> memref<125x80xi32, #tpu.memory_space<hbm>>
      %dma_wait3A_20 = arith.constant 0 : i32
      %dma_wait3A_21 = arith.constant 0 : i32
      %dma_wait3A_22 = tpu.memref_slice %arg2[%add3A, %dma_wait3A_20, %dma_wait3A_21] : memref<32x125x80xi32, #tpu.memory_space<hbm>> -> memref<1x125x80xi32, #tpu.memory_space<hbm>>
      %dma_wait3A_23 = tpu.memref_squeeze %dma_wait3A_22 : memref<1x125x80xi32, #tpu.memory_space<hbm>> -> memref<125x80xi32, #tpu.memory_space<hbm>>
      tpu.wait_dma2 semaphore(%run_scoped3A : memref<!tpu.dma_semaphore, #tpu.memory_space<semaphore_mem>>) src(%dma_wait3A_23 : memref<125x80xi32, #tpu.memory_space<hbm>>) dst(%arg7 : memref<125x80xi32, #tpu.memory_space<vmem>>)
      tpu.yield
    }) : () -> ()
    "tpu.region"() ({
      %run_scoped3A = tpu.sem_alloc : memref<!tpu.dma_semaphore, #tpu.memory_space<semaphore_mem>>
      %dma_start3A = arith.constant 0 : i32
      %dma_start3A_10 = arith.constant 0 : i32
      %dma_start3A_11 = tpu.memref_slice %arg3[%add3A, %dma_start3A, %dma_start3A_10] : memref<32x125x80xi32, #tpu.memory_space<hbm>> -> memref<1x125x80xi32, #tpu.memory_space<hbm>>
      %dma_start3A_12 = tpu.memref_squeeze %dma_start3A_11 : memref<1x125x80xi32, #tpu.memory_space<hbm>> -> memref<125x80xi32, #tpu.memory_space<hbm>>
      %dma_start3A_13 = arith.constant 0 : i32
      %dma_start3A_14 = arith.constant 0 : i32
      %dma_start3A_15 = tpu.memref_slice %arg3[%add3A, %dma_start3A_13, %dma_start3A_14] : memref<32x125x80xi32, #tpu.memory_space<hbm>> -> memref<1x125x80xi32, #tpu.memory_space<hbm>>
      %dma_start3A_16 = tpu.memref_squeeze %dma_start3A_15 : memref<1x125x80xi32, #tpu.memory_space<hbm>> -> memref<125x80xi32, #tpu.memory_space<hbm>>
      tpu.enqueue_dma source(%dma_start3A_16 : memref<125x80xi32, #tpu.memory_space<hbm>>) target(%arg8 : memref<125x80xi32, #tpu.memory_space<vmem>>) target_semaphore(%run_scoped3A : memref<!tpu.dma_semaphore, #tpu.memory_space<semaphore_mem>>)
      %dma_wait3A = arith.constant 0 : i32
      %dma_wait3A_17 = arith.constant 0 : i32
      %dma_wait3A_18 = tpu.memref_slice %arg3[%add3A, %dma_wait3A, %dma_wait3A_17] : memref<32x125x80xi32, #tpu.memory_space<hbm>> -> memref<1x125x80xi32, #tpu.memory_space<hbm>>
      %dma_wait3A_19 = tpu.memref_squeeze %dma_wait3A_18 : memref<1x125x80xi32, #tpu.memory_space<hbm>> -> memref<125x80xi32, #tpu.memory_space<hbm>>
      %dma_wait3A_20 = arith.constant 0 : i32
      %dma_wait3A_21 = arith.constant 0 : i32
      %dma_wait3A_22 = tpu.memref_slice %arg3[%add3A, %dma_wait3A_20, %dma_wait3A_21] : memref<32x125x80xi32, #tpu.memory_space<hbm>> -> memref<1x125x80xi32, #tpu.memory_space<hbm>>
      %dma_wait3A_23 = tpu.memref_squeeze %dma_wait3A_22 : memref<1x125x80xi32, #tpu.memory_space<hbm>> -> memref<125x80xi32, #tpu.memory_space<hbm>>
      tpu.wait_dma2 semaphore(%run_scoped3A : memref<!tpu.dma_semaphore, #tpu.memory_space<semaphore_mem>>) src(%dma_wait3A_23 : memref<125x80xi32, #tpu.memory_space<hbm>>) dst(%arg8 : memref<125x80xi32, #tpu.memory_space<vmem>>)
      tpu.yield
    }) : () -> ()
    %barrier3A = arith.constant 0 : index
    tpu.barrier barrier_id(%barrier3A)
    %scan3A = arith.constant 0 : i32
    %scan3A_3 = arith.constant 0 : i32
    %scan3A_4 = arith.constant 125 : i32
    %scan3A_5 = arith.addi %scan3A_3, %scan3A_4 : i32
    %scan3A_6 = arith.constant 1 : i32
    %scan3A_7 = scf.for %scan3A_10 = %scan3A_3 to %scan3A_5 step %scan3A_6 iter_args(%scan3A_11 = %scan3A) -> (i32)  : i32 {
      %dma_start3A = arith.constant 0 : i32
      %dma_start3A_12 = tpu.memref_slice %arg7[%scan3A_10, %dma_start3A] : memref<125x80xi32, #tpu.memory_space<vmem>> -> memref<1x80xi32, #tpu.memory_space<vmem>>
      %dma_start3A_13 = tpu.memref_squeeze %dma_start3A_12 : memref<1x80xi32, #tpu.memory_space<vmem>> -> memref<80xi32, #tpu.memory_space<vmem>>
      %dma_start3A_14 = arith.constant 0 : i32
      %dma_start3A_15 = arith.constant 0 : i32
      %dma_start3A_16 = tpu.memref_slice %arg4[%dma_start3A_14, %dma_start3A_15] : memref<10000x128xf32, #tpu.memory_space<hbm>> -> memref<10000x128xf32, #tpu.memory_space<hbm>>
      tpu.enqueue_indirect_dma source(%dma_start3A_16 : memref<10000x128xf32, #tpu.memory_space<hbm>>) target(%arg9 : memref<80x128xf32, #tpu.memory_space<vmem>>) offsets(%dma_start3A_13 : memref<80xi32, #tpu.memory_space<vmem>>) semaphore(%arg11 : memref<!tpu.dma_semaphore, #tpu.memory_space<semaphore_mem>>)
      %dma_wait3A = arith.constant 0 : i32
      %dma_wait3A_17 = tpu.memref_slice %arg7[%scan3A_10, %dma_wait3A] : memref<125x80xi32, #tpu.memory_space<vmem>> -> memref<1x80xi32, #tpu.memory_space<vmem>>
      %dma_wait3A_18 = tpu.memref_squeeze %dma_wait3A_17 : memref<1x80xi32, #tpu.memory_space<vmem>> -> memref<80xi32, #tpu.memory_space<vmem>>
      %dma_wait3A_19 = arith.constant 0 : i32
      %dma_wait3A_20 = arith.constant 0 : i32
      %dma_wait3A_21 = tpu.memref_slice %arg4[%dma_wait3A_19, %dma_wait3A_20] : memref<10000x128xf32, #tpu.memory_space<hbm>> -> memref<10000x128xf32, #tpu.memory_space<hbm>>
      tpu.wait_indirect_dma semaphore(%arg11 : memref<!tpu.dma_semaphore, #tpu.memory_space<semaphore_mem>>) src(%dma_wait3A_21 : memref<10000x128xf32, #tpu.memory_space<hbm>>) dst(%arg9 : memref<80x128xf32, #tpu.memory_space<vmem>>)
      "tpu.region"() ({
        %run_scoped3A = tpu.sem_alloc : memref<!tpu.dma_semaphore, #tpu.memory_space<semaphore_mem>>
        %dma_start3A_23 = arith.constant 0 : i32
        %dma_start3A_24 = tpu.memref_slice %arg8[%scan3A_10, %dma_start3A_23] : memref<125x80xi32, #tpu.memory_space<vmem>> -> memref<1x80xi32, #tpu.memory_space<vmem>>
        %dma_start3A_25 = tpu.memref_squeeze %dma_start3A_24 : memref<1x80xi32, #tpu.memory_space<vmem>> -> memref<80xi32, #tpu.memory_space<vmem>>
        %dma_start3A_26 = arith.constant 0 : i32
        %dma_start3A_27 = arith.constant 0 : i32
        %dma_start3A_28 = tpu.memref_slice %arg10[%dma_start3A_26, %dma_start3A_27] : memref<10112x128xf32, #tpu.memory_space<vmem_shared>> -> memref<10112x128xf32, #tpu.memory_space<vmem_shared>>
        tpu.enqueue_indirect_dma source(%arg9 : memref<80x128xf32, #tpu.memory_space<vmem>>) target(%dma_start3A_28 : memref<10112x128xf32, #tpu.memory_space<vmem_shared>>) offsets(%dma_start3A_25 : memref<80xi32, #tpu.memory_space<vmem>>) semaphore(%run_scoped3A : memref<!tpu.dma_semaphore, #tpu.memory_space<semaphore_mem>>) {add = true}
        %dma_wait3A_29 = arith.constant 0 : i32
        %dma_wait3A_30 = tpu.memref_slice %arg8[%scan3A_10, %dma_wait3A_29] : memref<125x80xi32, #tpu.memory_space<vmem>> -> memref<1x80xi32, #tpu.memory_space<vmem>>
        %dma_wait3A_31 = tpu.memref_squeeze %dma_wait3A_30 : memref<1x80xi32, #tpu.memory_space<vmem>> -> memref<80xi32, #tpu.memory_space<vmem>>
        %dma_wait3A_32 = arith.constant 0 : i32
        %dma_wait3A_33 = arith.constant 0 : i32
        %dma_wait3A_34 = tpu.memref_slice %arg10[%dma_wait3A_32, %dma_wait3A_33] : memref<10112x128xf32, #tpu.memory_space<vmem_shared>> -> memref<10112x128xf32, #tpu.memory_space<vmem_shared>>
        tpu.wait_indirect_dma semaphore(%run_scoped3A : memref<!tpu.dma_semaphore, #tpu.memory_space<semaphore_mem>>) src(%arg9 : memref<80x128xf32, #tpu.memory_space<vmem>>) dst(%dma_wait3A_34 : memref<10112x128xf32, #tpu.memory_space<vmem_shared>>)
        tpu.yield
      }) : () -> ()
      %scan3A_22 = arith.constant 0 : i32
      scf.yield %scan3A_22 : i32
    }
    %scan3A_8 = arith.constant 125 : i32
    %barrier3A_9 = arith.constant 0 : index
    tpu.barrier barrier_id(%barrier3A_9)
    "tpu.region"() ({
      %run_scoped3A = tpu.sem_alloc : memref<!tpu.dma_semaphore, #tpu.memory_space<semaphore_mem>>
      %dma_start3A = arith.constant 0 : i32
      %dma_start3A_10 = tpu.memref_slice %arg6[%arg0, %mul3A_2, %dma_start3A] : memref<2x10112x128xf32, #tpu.memory_space<hbm>> -> memref<1x632x128xf32, #tpu.memory_space<hbm>>
      %dma_start3A_11 = tpu.memref_squeeze %dma_start3A_10 : memref<1x632x128xf32, #tpu.memory_space<hbm>> -> memref<632x128xf32, #tpu.memory_space<hbm>>
      %dma_start3A_12 = arith.constant 0 : i32
      %dma_start3A_13 = tpu.memref_slice %arg10[%mul3A_2, %dma_start3A_12] : memref<10112x128xf32, #tpu.memory_space<vmem_shared>> -> memref<632x128xf32, #tpu.memory_space<vmem_shared>>
      tpu.enqueue_dma source(%dma_start3A_13 : memref<632x128xf32, #tpu.memory_space<vmem_shared>>) target(%dma_start3A_11 : memref<632x128xf32, #tpu.memory_space<hbm>>) target_semaphore(%run_scoped3A : memref<!tpu.dma_semaphore, #tpu.memory_space<semaphore_mem>>)
      %dma_wait3A = arith.constant 0 : i32
      %dma_wait3A_14 = tpu.memref_slice %arg6[%arg0, %mul3A_2, %dma_wait3A] : memref<2x10112x128xf32, #tpu.memory_space<hbm>> -> memref<1x632x128xf32, #tpu.memory_space<hbm>>
      %dma_wait3A_15 = tpu.memref_squeeze %dma_wait3A_14 : memref<1x632x128xf32, #tpu.memory_space<hbm>> -> memref<632x128xf32, #tpu.memory_space<hbm>>
      %dma_wait3A_16 = arith.constant 0 : i32
      %dma_wait3A_17 = tpu.memref_slice %arg10[%mul3A_2, %dma_wait3A_16] : memref<10112x128xf32, #tpu.memory_space<vmem_shared>> -> memref<632x128xf32, #tpu.memory_space<vmem_shared>>
      tpu.wait_dma2 semaphore(%run_scoped3A : memref<!tpu.dma_semaphore, #tpu.memory_space<semaphore_mem>>) src(%dma_wait3A_17 : memref<632x128xf32, #tpu.memory_space<vmem_shared>>) dst(%dma_wait3A_15 : memref<632x128xf32, #tpu.memory_space<hbm>>)
      tpu.yield
    }) : () -> ()
    return
  }
}

#map = affine_map<(d0, d1) -> (0, 0, 0)>
#map1 = affine_map<(d0, d1) -> (0, 0)>
module attributes {stable_mosaic.version = 14 : i64} {
  func.func @_sc_agg_body(%arg0: i32, %arg1: i32, %arg2: memref<32x125x80xi32, #tpu.memory_space<hbm>>, %arg3: memref<32x125x80xi32, #tpu.memory_space<hbm>>, %arg4: memref<10000x128xf32, #tpu.memory_space<hbm>>, %arg5: memref<632x128xf32, #tpu.memory_space<hbm>>, %arg6: memref<2x10112x128xf32, #tpu.memory_space<hbm>>, %arg7: memref<125x80xi32, #tpu.memory_space<vmem>>, %arg8: memref<125x80xi32, #tpu.memory_space<vmem>>, %arg9: memref<80x128xf32, #tpu.memory_space<vmem>>, %arg10: memref<10112x128xf32, #tpu.memory_space<vmem_shared>>, %arg11: memref<!tpu.dma_semaphore, #tpu.memory_space<semaphore_mem>>) attributes {dimension_semantics = [#tpu.dimension_semantics<core_parallel>, #tpu.dimension_semantics<subcore_parallel>], iteration_bounds = array<i64: 2, 16>, scalar_prefetch = 0 : i64, scratch_operands = 5 : i64, tpu.core_type = #tpu.core_type<sc_vector_subcore>, window_params = [{transform_indices = #map}, {transform_indices = #map}, {transform_indices = #map1}, {transform_indices = #map1}, {transform_indices = #map}]} {
    %mul3A = arith.constant 2 : i32
    %mul3A_0 = arith.muli %arg1, %mul3A : i32
    %add3A = arith.addi %mul3A_0, %arg0 : i32
    %mul3A_1 = arith.constant 632 : i32
    %mul3A_2 = arith.muli %arg1, %mul3A_1 : i32
    "tpu.region"() ({
      %run_scoped3A = tpu.sem_alloc : memref<!tpu.dma_semaphore, #tpu.memory_space<semaphore_mem>>
      %dma_start3A = arith.constant 0 : i32
      %dma_start3A_10 = tpu.memref_slice %arg10[%mul3A_2, %dma_start3A] : memref<10112x128xf32, #tpu.memory_space<vmem_shared>> -> memref<632x128xf32, #tpu.memory_space<vmem_shared>>
      tpu.enqueue_dma source(%arg5 : memref<632x128xf32, #tpu.memory_space<hbm>>) target(%dma_start3A_10 : memref<632x128xf32, #tpu.memory_space<vmem_shared>>) target_semaphore(%run_scoped3A : memref<!tpu.dma_semaphore, #tpu.memory_space<semaphore_mem>>)
      %dma_wait3A = arith.constant 0 : i32
      %dma_wait3A_11 = tpu.memref_slice %arg10[%mul3A_2, %dma_wait3A] : memref<10112x128xf32, #tpu.memory_space<vmem_shared>> -> memref<632x128xf32, #tpu.memory_space<vmem_shared>>
      tpu.wait_dma2 semaphore(%run_scoped3A : memref<!tpu.dma_semaphore, #tpu.memory_space<semaphore_mem>>) src(%arg5 : memref<632x128xf32, #tpu.memory_space<hbm>>) dst(%dma_wait3A_11 : memref<632x128xf32, #tpu.memory_space<vmem_shared>>)
      tpu.yield
    }) : () -> ()
    "tpu.region"() ({
      %run_scoped3A = tpu.sem_alloc : memref<!tpu.dma_semaphore, #tpu.memory_space<semaphore_mem>>
      %dma_start3A = arith.constant 0 : i32
      %dma_start3A_10 = arith.constant 0 : i32
      %dma_start3A_11 = tpu.memref_slice %arg2[%add3A, %dma_start3A, %dma_start3A_10] : memref<32x125x80xi32, #tpu.memory_space<hbm>> -> memref<1x125x80xi32, #tpu.memory_space<hbm>>
      %dma_start3A_12 = tpu.memref_squeeze %dma_start3A_11 : memref<1x125x80xi32, #tpu.memory_space<hbm>> -> memref<125x80xi32, #tpu.memory_space<hbm>>
      %dma_start3A_13 = arith.constant 0 : i32
      %dma_start3A_14 = arith.constant 0 : i32
      %dma_start3A_15 = tpu.memref_slice %arg2[%add3A, %dma_start3A_13, %dma_start3A_14] : memref<32x125x80xi32, #tpu.memory_space<hbm>> -> memref<1x125x80xi32, #tpu.memory_space<hbm>>
      %dma_start3A_16 = tpu.memref_squeeze %dma_start3A_15 : memref<1x125x80xi32, #tpu.memory_space<hbm>> -> memref<125x80xi32, #tpu.memory_space<hbm>>
      tpu.enqueue_dma source(%dma_start3A_16 : memref<125x80xi32, #tpu.memory_space<hbm>>) target(%arg7 : memref<125x80xi32, #tpu.memory_space<vmem>>) target_semaphore(%run_scoped3A : memref<!tpu.dma_semaphore, #tpu.memory_space<semaphore_mem>>)
      %dma_wait3A = arith.constant 0 : i32
      %dma_wait3A_17 = arith.constant 0 : i32
      %dma_wait3A_18 = tpu.memref_slice %arg2[%add3A, %dma_wait3A, %dma_wait3A_17] : memref<32x125x80xi32, #tpu.memory_space<hbm>> -> memref<1x125x80xi32, #tpu.memory_space<hbm>>
      %dma_wait3A_19 = tpu.memref_squeeze %dma_wait3A_18 : memref<1x125x80xi32, #tpu.memory_space<hbm>> -> memref<125x80xi32, #tpu.memory_space<hbm>>
      %dma_wait3A_20 = arith.constant 0 : i32
      %dma_wait3A_21 = arith.constant 0 : i32
      %dma_wait3A_22 = tpu.memref_slice %arg2[%add3A, %dma_wait3A_20, %dma_wait3A_21] : memref<32x125x80xi32, #tpu.memory_space<hbm>> -> memref<1x125x80xi32, #tpu.memory_space<hbm>>
      %dma_wait3A_23 = tpu.memref_squeeze %dma_wait3A_22 : memref<1x125x80xi32, #tpu.memory_space<hbm>> -> memref<125x80xi32, #tpu.memory_space<hbm>>
      tpu.wait_dma2 semaphore(%run_scoped3A : memref<!tpu.dma_semaphore, #tpu.memory_space<semaphore_mem>>) src(%dma_wait3A_23 : memref<125x80xi32, #tpu.memory_space<hbm>>) dst(%arg7 : memref<125x80xi32, #tpu.memory_space<vmem>>)
      tpu.yield
    }) : () -> ()
    "tpu.region"() ({
      %run_scoped3A = tpu.sem_alloc : memref<!tpu.dma_semaphore, #tpu.memory_space<semaphore_mem>>
      %dma_start3A = arith.constant 0 : i32
      %dma_start3A_10 = arith.constant 0 : i32
      %dma_start3A_11 = tpu.memref_slice %arg3[%add3A, %dma_start3A, %dma_start3A_10] : memref<32x125x80xi32, #tpu.memory_space<hbm>> -> memref<1x125x80xi32, #tpu.memory_space<hbm>>
      %dma_start3A_12 = tpu.memref_squeeze %dma_start3A_11 : memref<1x125x80xi32, #tpu.memory_space<hbm>> -> memref<125x80xi32, #tpu.memory_space<hbm>>
      %dma_start3A_13 = arith.constant 0 : i32
      %dma_start3A_14 = arith.constant 0 : i32
      %dma_start3A_15 = tpu.memref_slice %arg3[%add3A, %dma_start3A_13, %dma_start3A_14] : memref<32x125x80xi32, #tpu.memory_space<hbm>> -> memref<1x125x80xi32, #tpu.memory_space<hbm>>
      %dma_start3A_16 = tpu.memref_squeeze %dma_start3A_15 : memref<1x125x80xi32, #tpu.memory_space<hbm>> -> memref<125x80xi32, #tpu.memory_space<hbm>>
      tpu.enqueue_dma source(%dma_start3A_16 : memref<125x80xi32, #tpu.memory_space<hbm>>) target(%arg8 : memref<125x80xi32, #tpu.memory_space<vmem>>) target_semaphore(%run_scoped3A : memref<!tpu.dma_semaphore, #tpu.memory_space<semaphore_mem>>)
      %dma_wait3A = arith.constant 0 : i32
      %dma_wait3A_17 = arith.constant 0 : i32
      %dma_wait3A_18 = tpu.memref_slice %arg3[%add3A, %dma_wait3A, %dma_wait3A_17] : memref<32x125x80xi32, #tpu.memory_space<hbm>> -> memref<1x125x80xi32, #tpu.memory_space<hbm>>
      %dma_wait3A_19 = tpu.memref_squeeze %dma_wait3A_18 : memref<1x125x80xi32, #tpu.memory_space<hbm>> -> memref<125x80xi32, #tpu.memory_space<hbm>>
      %dma_wait3A_20 = arith.constant 0 : i32
      %dma_wait3A_21 = arith.constant 0 : i32
      %dma_wait3A_22 = tpu.memref_slice %arg3[%add3A, %dma_wait3A_20, %dma_wait3A_21] : memref<32x125x80xi32, #tpu.memory_space<hbm>> -> memref<1x125x80xi32, #tpu.memory_space<hbm>>
      %dma_wait3A_23 = tpu.memref_squeeze %dma_wait3A_22 : memref<1x125x80xi32, #tpu.memory_space<hbm>> -> memref<125x80xi32, #tpu.memory_space<hbm>>
      tpu.wait_dma2 semaphore(%run_scoped3A : memref<!tpu.dma_semaphore, #tpu.memory_space<semaphore_mem>>) src(%dma_wait3A_23 : memref<125x80xi32, #tpu.memory_space<hbm>>) dst(%arg8 : memref<125x80xi32, #tpu.memory_space<vmem>>)
      tpu.yield
    }) : () -> ()
    %barrier3A = arith.constant 0 : index
    tpu.barrier barrier_id(%barrier3A)
    %scan3A = arith.constant 0 : i32
    %scan3A_3 = arith.constant 0 : i32
    %scan3A_4 = arith.constant 125 : i32
    %scan3A_5 = arith.addi %scan3A_3, %scan3A_4 : i32
    %scan3A_6 = arith.constant 1 : i32
    %scan3A_7 = scf.for %scan3A_10 = %scan3A_3 to %scan3A_5 step %scan3A_6 iter_args(%scan3A_11 = %scan3A) -> (i32)  : i32 {
      %dma_start3A = arith.constant 0 : i32
      %dma_start3A_12 = tpu.memref_slice %arg7[%scan3A_10, %dma_start3A] : memref<125x80xi32, #tpu.memory_space<vmem>> -> memref<1x80xi32, #tpu.memory_space<vmem>>
      %dma_start3A_13 = tpu.memref_squeeze %dma_start3A_12 : memref<1x80xi32, #tpu.memory_space<vmem>> -> memref<80xi32, #tpu.memory_space<vmem>>
      %dma_start3A_14 = arith.constant 0 : i32
      %dma_start3A_15 = arith.constant 0 : i32
      %dma_start3A_16 = tpu.memref_slice %arg4[%dma_start3A_14, %dma_start3A_15] : memref<10000x128xf32, #tpu.memory_space<hbm>> -> memref<10000x128xf32, #tpu.memory_space<hbm>>
      tpu.enqueue_indirect_dma source(%dma_start3A_16 : memref<10000x128xf32, #tpu.memory_space<hbm>>) target(%arg9 : memref<80x128xf32, #tpu.memory_space<vmem>>) offsets(%dma_start3A_13 : memref<80xi32, #tpu.memory_space<vmem>>) semaphore(%arg11 : memref<!tpu.dma_semaphore, #tpu.memory_space<semaphore_mem>>)
      %dma_wait3A = arith.constant 0 : i32
      %dma_wait3A_17 = tpu.memref_slice %arg7[%scan3A_10, %dma_wait3A] : memref<125x80xi32, #tpu.memory_space<vmem>> -> memref<1x80xi32, #tpu.memory_space<vmem>>
      %dma_wait3A_18 = tpu.memref_squeeze %dma_wait3A_17 : memref<1x80xi32, #tpu.memory_space<vmem>> -> memref<80xi32, #tpu.memory_space<vmem>>
      %dma_wait3A_19 = arith.constant 0 : i32
      %dma_wait3A_20 = arith.constant 0 : i32
      %dma_wait3A_21 = tpu.memref_slice %arg4[%dma_wait3A_19, %dma_wait3A_20] : memref<10000x128xf32, #tpu.memory_space<hbm>> -> memref<10000x128xf32, #tpu.memory_space<hbm>>
      tpu.wait_indirect_dma semaphore(%arg11 : memref<!tpu.dma_semaphore, #tpu.memory_space<semaphore_mem>>) src(%dma_wait3A_21 : memref<10000x128xf32, #tpu.memory_space<hbm>>) dst(%arg9 : memref<80x128xf32, #tpu.memory_space<vmem>>)
      "tpu.region"() ({
        %run_scoped3A = tpu.sem_alloc : memref<!tpu.dma_semaphore, #tpu.memory_space<semaphore_mem>>
        %dma_start3A_23 = arith.constant 0 : i32
        %dma_start3A_24 = tpu.memref_slice %arg8[%scan3A_10, %dma_start3A_23] : memref<125x80xi32, #tpu.memory_space<vmem>> -> memref<1x80xi32, #tpu.memory_space<vmem>>
        %dma_start3A_25 = tpu.memref_squeeze %dma_start3A_24 : memref<1x80xi32, #tpu.memory_space<vmem>> -> memref<80xi32, #tpu.memory_space<vmem>>
        %dma_start3A_26 = arith.constant 0 : i32
        %dma_start3A_27 = arith.constant 0 : i32
        %dma_start3A_28 = tpu.memref_slice %arg10[%dma_start3A_26, %dma_start3A_27] : memref<10112x128xf32, #tpu.memory_space<vmem_shared>> -> memref<10112x128xf32, #tpu.memory_space<vmem_shared>>
        tpu.enqueue_indirect_dma source(%arg9 : memref<80x128xf32, #tpu.memory_space<vmem>>) target(%dma_start3A_28 : memref<10112x128xf32, #tpu.memory_space<vmem_shared>>) offsets(%dma_start3A_25 : memref<80xi32, #tpu.memory_space<vmem>>) semaphore(%run_scoped3A : memref<!tpu.dma_semaphore, #tpu.memory_space<semaphore_mem>>) {add = true}
        %dma_wait3A_29 = arith.constant 0 : i32
        %dma_wait3A_30 = tpu.memref_slice %arg8[%scan3A_10, %dma_wait3A_29] : memref<125x80xi32, #tpu.memory_space<vmem>> -> memref<1x80xi32, #tpu.memory_space<vmem>>
        %dma_wait3A_31 = tpu.memref_squeeze %dma_wait3A_30 : memref<1x80xi32, #tpu.memory_space<vmem>> -> memref<80xi32, #tpu.memory_space<vmem>>
        %dma_wait3A_32 = arith.constant 0 : i32
        %dma_wait3A_33 = arith.constant 0 : i32
        %dma_wait3A_34 = tpu.memref_slice %arg10[%dma_wait3A_32, %dma_wait3A_33] : memref<10112x128xf32, #tpu.memory_space<vmem_shared>> -> memref<10112x128xf32, #tpu.memory_space<vmem_shared>>
        tpu.wait_indirect_dma semaphore(%run_scoped3A : memref<!tpu.dma_semaphore, #tpu.memory_space<semaphore_mem>>) src(%arg9 : memref<80x128xf32, #tpu.memory_space<vmem>>) dst(%dma_wait3A_34 : memref<10112x128xf32, #tpu.memory_space<vmem_shared>>)
        tpu.yield
      }) : () -> ()
      %scan3A_22 = arith.constant 0 : i32
      scf.yield %scan3A_22 : i32
    }
    %scan3A_8 = arith.constant 125 : i32
    %barrier3A_9 = arith.constant 0 : index
    tpu.barrier barrier_id(%barrier3A_9)
    "tpu.region"() ({
      %run_scoped3A = tpu.sem_alloc : memref<!tpu.dma_semaphore, #tpu.memory_space<semaphore_mem>>
      %dma_start3A = arith.constant 0 : i32
      %dma_start3A_10 = tpu.memref_slice %arg6[%arg0, %mul3A_2, %dma_start3A] : memref<2x10112x128xf32, #tpu.memory_space<hbm>> -> memref<1x632x128xf32, #tpu.memory_space<hbm>>
      %dma_start3A_11 = tpu.memref_squeeze %dma_start3A_10 : memref<1x632x128xf32, #tpu.memory_space<hbm>> -> memref<632x128xf32, #tpu.memory_space<hbm>>
      %dma_start3A_12 = arith.constant 0 : i32
      %dma_start3A_13 = tpu.memref_slice %arg10[%mul3A_2, %dma_start3A_12] : memref<10112x128xf32, #tpu.memory_space<vmem_shared>> -> memref<632x128xf32, #tpu.memory_space<vmem_shared>>
      tpu.enqueue_dma source(%dma_start3A_13 : memref<632x128xf32, #tpu.memory_space<vmem_shared>>) target(%dma_start3A_11 : memref<632x128xf32, #tpu.memory_space<hbm>>) target_semaphore(%run_scoped3A : memref<!tpu.dma_semaphore, #tpu.memory_space<semaphore_mem>>)
      %dma_wait3A = arith.constant 0 : i32
      %dma_wait3A_14 = tpu.memref_slice %arg6[%arg0, %mul3A_2, %dma_wait3A] : memref<2x10112x128xf32, #tpu.memory_space<hbm>> -> memref<1x632x128xf32, #tpu.memory_space<hbm>>
      %dma_wait3A_15 = tpu.memref_squeeze %dma_wait3A_14 : memref<1x632x128xf32, #tpu.memory_space<hbm>> -> memref<632x128xf32, #tpu.memory_space<hbm>>
      %dma_wait3A_16 = arith.constant 0 : i32
      %dma_wait3A_17 = tpu.memref_slice %arg10[%mul3A_2, %dma_wait3A_16] : memref<10112x128xf32, #tpu.memory_space<vmem_shared>> -> memref<632x128xf32, #tpu.memory_space<vmem_shared>>
      tpu.wait_dma2 semaphore(%run_scoped3A : memref<!tpu.dma_semaphore, #tpu.memory_space<semaphore_mem>>) src(%dma_wait3A_17 : memref<632x128xf32, #tpu.memory_space<vmem_shared>>) dst(%dma_wait3A_15 : memref<632x128xf32, #tpu.memory_space<hbm>>)
      tpu.yield
    }) : () -> ()
    return
  }
}

#map = affine_map<(d0, d1) -> (0, 0, 0)>
#map1 = affine_map<(d0, d1) -> (0, 0)>
module attributes {stable_mosaic.version = 14 : i64} {
  func.func @_sc_deg_body(%arg0: i32, %arg1: i32, %arg2: memref<32x125x80xi32, #tpu.memory_space<hbm>>, %arg3: memref<632x128xf32, #tpu.memory_space<hbm>>, %arg4: memref<80x128xf32, #tpu.memory_space<hbm>>, %arg5: memref<2x10112x128xf32, #tpu.memory_space<hbm>>, %arg6: memref<125x80xi32, #tpu.memory_space<vmem>>, %arg7: memref<80x128xf32, #tpu.memory_space<vmem>>, %arg8: memref<10112x128xf32, #tpu.memory_space<vmem_shared>>) attributes {dimension_semantics = [#tpu.dimension_semantics<core_parallel>, #tpu.dimension_semantics<subcore_parallel>], iteration_bounds = array<i64: 2, 16>, scalar_prefetch = 0 : i64, scratch_operands = 3 : i64, tpu.core_type = #tpu.core_type<sc_vector_subcore>, window_params = [{transform_indices = #map}, {transform_indices = #map1}, {transform_indices = #map1}, {transform_indices = #map}]} {
    %mul3A = arith.constant 2 : i32
    %mul3A_0 = arith.muli %arg1, %mul3A : i32
    %add3A = arith.addi %mul3A_0, %arg0 : i32
    %mul3A_1 = arith.constant 632 : i32
    %mul3A_2 = arith.muli %arg1, %mul3A_1 : i32
    "tpu.region"() ({
      %run_scoped3A = tpu.sem_alloc : memref<!tpu.dma_semaphore, #tpu.memory_space<semaphore_mem>>
      %dma_start3A = arith.constant 0 : i32
      %dma_start3A_10 = tpu.memref_slice %arg8[%mul3A_2, %dma_start3A] : memref<10112x128xf32, #tpu.memory_space<vmem_shared>> -> memref<632x128xf32, #tpu.memory_space<vmem_shared>>
      tpu.enqueue_dma source(%arg3 : memref<632x128xf32, #tpu.memory_space<hbm>>) target(%dma_start3A_10 : memref<632x128xf32, #tpu.memory_space<vmem_shared>>) target_semaphore(%run_scoped3A : memref<!tpu.dma_semaphore, #tpu.memory_space<semaphore_mem>>)
      %dma_wait3A = arith.constant 0 : i32
      %dma_wait3A_11 = tpu.memref_slice %arg8[%mul3A_2, %dma_wait3A] : memref<10112x128xf32, #tpu.memory_space<vmem_shared>> -> memref<632x128xf32, #tpu.memory_space<vmem_shared>>
      tpu.wait_dma2 semaphore(%run_scoped3A : memref<!tpu.dma_semaphore, #tpu.memory_space<semaphore_mem>>) src(%arg3 : memref<632x128xf32, #tpu.memory_space<hbm>>) dst(%dma_wait3A_11 : memref<632x128xf32, #tpu.memory_space<vmem_shared>>)
      tpu.yield
    }) : () -> ()
    "tpu.region"() ({
      %run_scoped3A = tpu.sem_alloc : memref<!tpu.dma_semaphore, #tpu.memory_space<semaphore_mem>>
      %dma_start3A = arith.constant 0 : i32
      %dma_start3A_10 = arith.constant 0 : i32
      %dma_start3A_11 = tpu.memref_slice %arg2[%add3A, %dma_start3A, %dma_start3A_10] : memref<32x125x80xi32, #tpu.memory_space<hbm>> -> memref<1x125x80xi32, #tpu.memory_space<hbm>>
      %dma_start3A_12 = tpu.memref_squeeze %dma_start3A_11 : memref<1x125x80xi32, #tpu.memory_space<hbm>> -> memref<125x80xi32, #tpu.memory_space<hbm>>
      %dma_start3A_13 = arith.constant 0 : i32
      %dma_start3A_14 = arith.constant 0 : i32
      %dma_start3A_15 = tpu.memref_slice %arg2[%add3A, %dma_start3A_13, %dma_start3A_14] : memref<32x125x80xi32, #tpu.memory_space<hbm>> -> memref<1x125x80xi32, #tpu.memory_space<hbm>>
      %dma_start3A_16 = tpu.memref_squeeze %dma_start3A_15 : memref<1x125x80xi32, #tpu.memory_space<hbm>> -> memref<125x80xi32, #tpu.memory_space<hbm>>
      tpu.enqueue_dma source(%dma_start3A_16 : memref<125x80xi32, #tpu.memory_space<hbm>>) target(%arg6 : memref<125x80xi32, #tpu.memory_space<vmem>>) target_semaphore(%run_scoped3A : memref<!tpu.dma_semaphore, #tpu.memory_space<semaphore_mem>>)
      %dma_wait3A = arith.constant 0 : i32
      %dma_wait3A_17 = arith.constant 0 : i32
      %dma_wait3A_18 = tpu.memref_slice %arg2[%add3A, %dma_wait3A, %dma_wait3A_17] : memref<32x125x80xi32, #tpu.memory_space<hbm>> -> memref<1x125x80xi32, #tpu.memory_space<hbm>>
      %dma_wait3A_19 = tpu.memref_squeeze %dma_wait3A_18 : memref<1x125x80xi32, #tpu.memory_space<hbm>> -> memref<125x80xi32, #tpu.memory_space<hbm>>
      %dma_wait3A_20 = arith.constant 0 : i32
      %dma_wait3A_21 = arith.constant 0 : i32
      %dma_wait3A_22 = tpu.memref_slice %arg2[%add3A, %dma_wait3A_20, %dma_wait3A_21] : memref<32x125x80xi32, #tpu.memory_space<hbm>> -> memref<1x125x80xi32, #tpu.memory_space<hbm>>
      %dma_wait3A_23 = tpu.memref_squeeze %dma_wait3A_22 : memref<1x125x80xi32, #tpu.memory_space<hbm>> -> memref<125x80xi32, #tpu.memory_space<hbm>>
      tpu.wait_dma2 semaphore(%run_scoped3A : memref<!tpu.dma_semaphore, #tpu.memory_space<semaphore_mem>>) src(%dma_wait3A_23 : memref<125x80xi32, #tpu.memory_space<hbm>>) dst(%arg6 : memref<125x80xi32, #tpu.memory_space<vmem>>)
      tpu.yield
    }) : () -> ()
    "tpu.region"() ({
      %run_scoped3A = tpu.sem_alloc : memref<!tpu.dma_semaphore, #tpu.memory_space<semaphore_mem>>
      tpu.enqueue_dma source(%arg4 : memref<80x128xf32, #tpu.memory_space<hbm>>) target(%arg7 : memref<80x128xf32, #tpu.memory_space<vmem>>) target_semaphore(%run_scoped3A : memref<!tpu.dma_semaphore, #tpu.memory_space<semaphore_mem>>)
      tpu.wait_dma2 semaphore(%run_scoped3A : memref<!tpu.dma_semaphore, #tpu.memory_space<semaphore_mem>>) src(%arg4 : memref<80x128xf32, #tpu.memory_space<hbm>>) dst(%arg7 : memref<80x128xf32, #tpu.memory_space<vmem>>)
      tpu.yield
    }) : () -> ()
    %barrier3A = arith.constant 0 : index
    tpu.barrier barrier_id(%barrier3A)
    %scan3A = arith.constant 0 : i32
    %scan3A_3 = arith.constant 0 : i32
    %scan3A_4 = arith.constant 125 : i32
    %scan3A_5 = arith.addi %scan3A_3, %scan3A_4 : i32
    %scan3A_6 = arith.constant 1 : i32
    %scan3A_7 = scf.for %scan3A_10 = %scan3A_3 to %scan3A_5 step %scan3A_6 iter_args(%scan3A_11 = %scan3A) -> (i32)  : i32 {
      "tpu.region"() ({
        %run_scoped3A = tpu.sem_alloc : memref<!tpu.dma_semaphore, #tpu.memory_space<semaphore_mem>>
        %dma_start3A = arith.constant 0 : i32
        %dma_start3A_13 = tpu.memref_slice %arg6[%scan3A_10, %dma_start3A] : memref<125x80xi32, #tpu.memory_space<vmem>> -> memref<1x80xi32, #tpu.memory_space<vmem>>
        %dma_start3A_14 = tpu.memref_squeeze %dma_start3A_13 : memref<1x80xi32, #tpu.memory_space<vmem>> -> memref<80xi32, #tpu.memory_space<vmem>>
        %dma_start3A_15 = arith.constant 0 : i32
        %dma_start3A_16 = arith.constant 0 : i32
        %dma_start3A_17 = tpu.memref_slice %arg8[%dma_start3A_15, %dma_start3A_16] : memref<10112x128xf32, #tpu.memory_space<vmem_shared>> -> memref<10112x128xf32, #tpu.memory_space<vmem_shared>>
        tpu.enqueue_indirect_dma source(%arg7 : memref<80x128xf32, #tpu.memory_space<vmem>>) target(%dma_start3A_17 : memref<10112x128xf32, #tpu.memory_space<vmem_shared>>) offsets(%dma_start3A_14 : memref<80xi32, #tpu.memory_space<vmem>>) semaphore(%run_scoped3A : memref<!tpu.dma_semaphore, #tpu.memory_space<semaphore_mem>>) {add = true}
        %dma_wait3A = arith.constant 0 : i32
        %dma_wait3A_18 = tpu.memref_slice %arg6[%scan3A_10, %dma_wait3A] : memref<125x80xi32, #tpu.memory_space<vmem>> -> memref<1x80xi32, #tpu.memory_space<vmem>>
        %dma_wait3A_19 = tpu.memref_squeeze %dma_wait3A_18 : memref<1x80xi32, #tpu.memory_space<vmem>> -> memref<80xi32, #tpu.memory_space<vmem>>
        %dma_wait3A_20 = arith.constant 0 : i32
        %dma_wait3A_21 = arith.constant 0 : i32
        %dma_wait3A_22 = tpu.memref_slice %arg8[%dma_wait3A_20, %dma_wait3A_21] : memref<10112x128xf32, #tpu.memory_space<vmem_shared>> -> memref<10112x128xf32, #tpu.memory_space<vmem_shared>>
        tpu.wait_indirect_dma semaphore(%run_scoped3A : memref<!tpu.dma_semaphore, #tpu.memory_space<semaphore_mem>>) src(%arg7 : memref<80x128xf32, #tpu.memory_space<vmem>>) dst(%dma_wait3A_22 : memref<10112x128xf32, #tpu.memory_space<vmem_shared>>)
        tpu.yield
      }) : () -> ()
      %scan3A_12 = arith.constant 0 : i32
      scf.yield %scan3A_12 : i32
    }
    %scan3A_8 = arith.constant 125 : i32
    %barrier3A_9 = arith.constant 0 : index
    tpu.barrier barrier_id(%barrier3A_9)
    "tpu.region"() ({
      %run_scoped3A = tpu.sem_alloc : memref<!tpu.dma_semaphore, #tpu.memory_space<semaphore_mem>>
      %dma_start3A = arith.constant 0 : i32
      %dma_start3A_10 = tpu.memref_slice %arg5[%arg0, %mul3A_2, %dma_start3A] : memref<2x10112x128xf32, #tpu.memory_space<hbm>> -> memref<1x632x128xf32, #tpu.memory_space<hbm>>
      %dma_start3A_11 = tpu.memref_squeeze %dma_start3A_10 : memref<1x632x128xf32, #tpu.memory_space<hbm>> -> memref<632x128xf32, #tpu.memory_space<hbm>>
      %dma_start3A_12 = arith.constant 0 : i32
      %dma_start3A_13 = tpu.memref_slice %arg8[%mul3A_2, %dma_start3A_12] : memref<10112x128xf32, #tpu.memory_space<vmem_shared>> -> memref<632x128xf32, #tpu.memory_space<vmem_shared>>
      tpu.enqueue_dma source(%dma_start3A_13 : memref<632x128xf32, #tpu.memory_space<vmem_shared>>) target(%dma_start3A_11 : memref<632x128xf32, #tpu.memory_space<hbm>>) target_semaphore(%run_scoped3A : memref<!tpu.dma_semaphore, #tpu.memory_space<semaphore_mem>>)
      %dma_wait3A = arith.constant 0 : i32
      %dma_wait3A_14 = tpu.memref_slice %arg5[%arg0, %mul3A_2, %dma_wait3A] : memref<2x10112x128xf32, #tpu.memory_space<hbm>> -> memref<1x632x128xf32, #tpu.memory_space<hbm>>
      %dma_wait3A_15 = tpu.memref_squeeze %dma_wait3A_14 : memref<1x632x128xf32, #tpu.memory_space<hbm>> -> memref<632x128xf32, #tpu.memory_space<hbm>>
      %dma_wait3A_16 = arith.constant 0 : i32
      %dma_wait3A_17 = tpu.memref_slice %arg8[%mul3A_2, %dma_wait3A_16] : memref<10112x128xf32, #tpu.memory_space<vmem_shared>> -> memref<632x128xf32, #tpu.memory_space<vmem_shared>>
      tpu.wait_dma2 semaphore(%run_scoped3A : memref<!tpu.dma_semaphore, #tpu.memory_space<semaphore_mem>>) src(%dma_wait3A_17 : memref<632x128xf32, #tpu.memory_space<vmem_shared>>) dst(%dma_wait3A_15 : memref<632x128xf32, #tpu.memory_space<hbm>>)
      tpu.yield
    }) : () -> ()
    return
  }
}

module attributes {stable_mosaic.version = 14 : i64} {
  func.func @_dense_body(%arg0: i32, %arg1: memref<400x128xf32, #tpu.memory_space<vmem>>, %arg2: memref<2x400x128xf32, #tpu.memory_space<vmem>>, %arg3: memref<2x400x128xf32, #tpu.memory_space<vmem>>, %arg4: memref<128x256xf32, #tpu.memory_space<vmem>>, %arg5: memref<1x128xf32, #tpu.memory_space<vmem>>, %arg6: memref<400x128xf32, #tpu.memory_space<vmem>>) attributes {dimension_semantics = [#tpu.dimension_semantics<arbitrary>], iteration_bounds = array<i64: 25>, scalar_prefetch = 0 : i64, scratch_operands = 0 : i64, tpu.core_type = #tpu.core_type<tc>, window_params = [{transform_indices = @transform_0, window_bounds = array<i64: 400, 128>}, {transform_indices = @transform_1, window_bounds = array<i64: 2, 400, 128>}, {transform_indices = @transform_2, window_bounds = array<i64: 2, 400, 128>}, {pipeline_mode = #tpu.pipeline_mode<synchronous>, transform_indices = @transform_3, window_bounds = array<i64: 128, 256>}, {pipeline_mode = #tpu.pipeline_mode<synchronous>, transform_indices = @transform_4, window_bounds = array<i64: 1, 128>}, {transform_indices = @transform_5, window_bounds = array<i64: 400, 128>}]} {
    %get3A = arith.constant 0 : index
    %get3A_0 = arith.constant 0 : index
    %get3A_1 = arith.constant 0 : index
    %get3A_2 = vector.load %arg3[%get3A, %get3A_0, %get3A_1] : memref<2x400x128xf32, #tpu.memory_space<vmem>>, vector<1x400x1xf32>
    %get3A_3 = vector.shape_cast %get3A_2 : vector<1x400x1xf32> to vector<400x1xf32>
    %get3A_4 = arith.constant 1 : index
    %get3A_5 = arith.constant 0 : index
    %get3A_6 = arith.constant 0 : index
    %get3A_7 = vector.load %arg3[%get3A_4, %get3A_5, %get3A_6] : memref<2x400x128xf32, #tpu.memory_space<vmem>>, vector<1x400x1xf32>
    %get3A_8 = vector.shape_cast %get3A_7 : vector<1x400x1xf32> to vector<400x1xf32>
    %add3A = arith.addf %get3A_3, %get3A_8 : vector<400x1xf32>
    %max3A = arith.constant 1.000000e+00 : f32
    %max3A_9 = vector.broadcast %max3A : f32 to vector<400x1xf32>
    %max3A_10 = arith.maximumf %add3A, %max3A_9 : vector<400x1xf32>
    %get3A_11 = arith.constant 0 : index
    %get3A_12 = arith.constant 0 : index
    %get3A_13 = arith.constant 0 : index
    %get3A_14 = vector.load %arg2[%get3A_11, %get3A_12, %get3A_13] : memref<2x400x128xf32, #tpu.memory_space<vmem>>, vector<1x400x128xf32>
    %get3A_15 = vector.shape_cast %get3A_14 : vector<1x400x128xf32> to vector<400x128xf32>
    %get3A_16 = arith.constant 1 : index
    %get3A_17 = arith.constant 0 : index
    %get3A_18 = arith.constant 0 : index
    %get3A_19 = vector.load %arg2[%get3A_16, %get3A_17, %get3A_18] : memref<2x400x128xf32, #tpu.memory_space<vmem>>, vector<1x400x128xf32>
    %get3A_20 = vector.shape_cast %get3A_19 : vector<1x400x128xf32> to vector<400x128xf32>
    %add3A_21 = arith.addf %get3A_15, %get3A_20 : vector<400x128xf32>
    %div3A = vector.broadcast %max3A_10 : vector<400x1xf32> to vector<400x128xf32>
    %div3A_22 = arith.divf %add3A_21, %div3A : vector<400x128xf32>
    %get3A_23 = arith.constant 0 : index
    %get3A_24 = arith.constant 0 : index
    %get3A_25 = vector.load %arg1[%get3A_23, %get3A_24] : memref<400x128xf32, #tpu.memory_space<vmem>>, vector<400x128xf32>
    %get3A_26 = arith.constant 0 : index
    %get3A_27 = arith.constant 0 : index
    %get3A_28 = vector.load %arg4[%get3A_26, %get3A_27] : memref<128x256xf32, #tpu.memory_space<vmem>>, vector<128x256xf32>
    %slice3A = vector.extract_strided_slice %get3A_28 {offsets = [0, 0], sizes = [128, 128], strides = [1, 1]} : vector<128x256xf32> to vector<128x128xf32>
    %dot_general3A = arith.constant dense<0.000000e+00> : vector<400x128xf32>
    %dot_general3A_29 = tpu.matmul %get3A_25, %slice3A, %dot_general3A {dimension_numbers = #tpu.dot_dimension_numbers<[1], [1], [0], [0], [0, 0, 1, 0], [], []>, transpose_lhs_hint = false} : vector<400x128xf32>, vector<128x128xf32>, vector<400x128xf32> -> vector<400x128xf32>
    %slice3A_30 = vector.extract_strided_slice %get3A_28 {offsets = [0, 128], sizes = [128, 128], strides = [1, 1]} : vector<128x256xf32> to vector<128x128xf32>
    %dot_general3A_31 = arith.constant dense<0.000000e+00> : vector<400x128xf32>
    %dot_general3A_32 = tpu.matmul %div3A_22, %slice3A_30, %dot_general3A_31 {dimension_numbers = #tpu.dot_dimension_numbers<[1], [1], [0], [0], [0, 0, 1, 0], [], []>, transpose_lhs_hint = false} : vector<400x128xf32>, vector<128x128xf32>, vector<400x128xf32> -> vector<400x128xf32>
    %add3A_33 = arith.addf %dot_general3A_29, %dot_general3A_32 : vector<400x128xf32>
    %get3A_34 = arith.constant 0 : index
    %get3A_35 = arith.constant 0 : index
    %get3A_36 = vector.load %arg5[%get3A_34, %get3A_35] : memref<1x128xf32, #tpu.memory_space<vmem>>, vector<1x128xf32>
    %add3A_37 = vector.broadcast %get3A_36 : vector<1x128xf32> to vector<400x128xf32>
    %add3A_38 = arith.addf %add3A_33, %add3A_37 : vector<400x128xf32>
    %gt3A = arith.constant 0.000000e+00 : f32
    %gt3A_39 = vector.broadcast %gt3A : f32 to vector<400x128xf32>
    %gt3A_40 = arith.cmpf ogt, %add3A_38, %gt3A_39 : vector<400x128xf32>
    %mul3A = arith.constant 0.00999999977 : f32
    %mul3A_41 = vector.broadcast %mul3A : f32 to vector<400x128xf32>
    %mul3A_42 = arith.mulf %mul3A_41, %add3A_38 : vector<400x128xf32>
    %select_n3A = arith.select %gt3A_40, %add3A_38, %mul3A_42 : vector<400x128xi1>, vector<400x128xf32>
    %mul3A_43 = arith.mulf %select_n3A, %select_n3A : vector<400x128xf32>
    %reduce_sum3A = arith.constant dense<0.000000e+00> : vector<400xf32>
    %reduce_sum3A_44 = vector.multi_reduction <add>, %mul3A_43, %reduce_sum3A [1] : vector<400x128xf32> to vector<400xf32>
    %broadcast_in_dim3A = vector.shape_cast %reduce_sum3A_44 : vector<400xf32> to vector<400x1xf32>
    %sqrt3A = math.sqrt %broadcast_in_dim3A : vector<400x1xf32>
    %max3A_45 = arith.constant 9.99999997E-7 : f32
    %max3A_46 = vector.broadcast %max3A_45 : f32 to vector<400x1xf32>
    %max3A_47 = arith.maximumf %sqrt3A, %max3A_46 : vector<400x1xf32>
    %div3A_48 = vector.broadcast %max3A_47 : vector<400x1xf32> to vector<400x128xf32>
    %div3A_49 = arith.divf %select_n3A, %div3A_48 : vector<400x128xf32>
    %swap3A = arith.constant 0 : index
    %swap3A_50 = arith.constant 0 : index
    %swap3A_51 = vector.load %arg6[%swap3A, %swap3A_50] : memref<400x128xf32, #tpu.memory_space<vmem>>, vector<400x128xf32>
    tpu.vector_store %arg6[%swap3A, %swap3A_50], %div3A_49 {strides = array<i32>} : memref<400x128xf32, #tpu.memory_space<vmem>>, vector<400x128xf32>,
    return
  }
  func.func @transform_0(%arg0: i32) -> (i32, i32) {
    %c0_i32 = arith.constant 0 : i32
    %c0_i32_0 = arith.constant 0 : i32
    return %arg0, %c0_i32 : i32, i32
  }
  func.func @transform_1(%arg0: i32) -> (i32, i32, i32) {
    %c0_i32 = arith.constant 0 : i32
    %c0_i32_0 = arith.constant 0 : i32
    %c0_i32_1 = arith.constant 0 : i32
    return %c0_i32, %arg0, %c0_i32_0 : i32, i32, i32
  }
  func.func @transform_2(%arg0: i32) -> (i32, i32, i32) {
    %c0_i32 = arith.constant 0 : i32
    %c0_i32_0 = arith.constant 0 : i32
    %c0_i32_1 = arith.constant 0 : i32
    return %c0_i32, %arg0, %c0_i32_0 : i32, i32, i32
  }
  func.func @transform_3(%arg0: i32) -> (i32, i32) {
    %c0_i32 = arith.constant 0 : i32
    %c0_i32_0 = arith.constant 0 : i32
    %c0_i32_1 = arith.constant 0 : i32
    return %c0_i32, %c0_i32_0 : i32, i32
  }
  func.func @transform_4(%arg0: i32) -> (i32, i32) {
    %c0_i32 = arith.constant 0 : i32
    %c0_i32_0 = arith.constant 0 : i32
    %c0_i32_1 = arith.constant 0 : i32
    return %c0_i32, %c0_i32_0 : i32, i32
  }
  func.func @transform_5(%arg0: i32) -> (i32, i32) {
    %c0_i32 = arith.constant 0 : i32
    %c0_i32_0 = arith.constant 0 : i32
    return %arg0, %c0_i32 : i32, i32
  }
}

module attributes {stable_mosaic.version = 14 : i64} {
  func.func @_dense_body(%arg0: i32, %arg1: memref<400x128xf32, #tpu.memory_space<vmem>>, %arg2: memref<2x400x128xf32, #tpu.memory_space<vmem>>, %arg3: memref<2x400x128xf32, #tpu.memory_space<vmem>>, %arg4: memref<128x256xf32, #tpu.memory_space<vmem>>, %arg5: memref<1x128xf32, #tpu.memory_space<vmem>>, %arg6: memref<400x128xf32, #tpu.memory_space<vmem>>) attributes {dimension_semantics = [#tpu.dimension_semantics<arbitrary>], iteration_bounds = array<i64: 25>, scalar_prefetch = 0 : i64, scratch_operands = 0 : i64, tpu.core_type = #tpu.core_type<tc>, window_params = [{transform_indices = @transform_0, window_bounds = array<i64: 400, 128>}, {transform_indices = @transform_1, window_bounds = array<i64: 2, 400, 128>}, {transform_indices = @transform_2, window_bounds = array<i64: 2, 400, 128>}, {pipeline_mode = #tpu.pipeline_mode<synchronous>, transform_indices = @transform_3, window_bounds = array<i64: 128, 256>}, {pipeline_mode = #tpu.pipeline_mode<synchronous>, transform_indices = @transform_4, window_bounds = array<i64: 1, 128>}, {transform_indices = @transform_5, window_bounds = array<i64: 400, 128>}]} {
    %get3A = arith.constant 0 : index
    %get3A_0 = arith.constant 0 : index
    %get3A_1 = arith.constant 0 : index
    %get3A_2 = vector.load %arg3[%get3A, %get3A_0, %get3A_1] : memref<2x400x128xf32, #tpu.memory_space<vmem>>, vector<1x400x1xf32>
    %get3A_3 = vector.shape_cast %get3A_2 : vector<1x400x1xf32> to vector<400x1xf32>
    %get3A_4 = arith.constant 1 : index
    %get3A_5 = arith.constant 0 : index
    %get3A_6 = arith.constant 0 : index
    %get3A_7 = vector.load %arg3[%get3A_4, %get3A_5, %get3A_6] : memref<2x400x128xf32, #tpu.memory_space<vmem>>, vector<1x400x1xf32>
    %get3A_8 = vector.shape_cast %get3A_7 : vector<1x400x1xf32> to vector<400x1xf32>
    %add3A = arith.addf %get3A_3, %get3A_8 : vector<400x1xf32>
    %max3A = arith.constant 1.000000e+00 : f32
    %max3A_9 = vector.broadcast %max3A : f32 to vector<400x1xf32>
    %max3A_10 = arith.maximumf %add3A, %max3A_9 : vector<400x1xf32>
    %get3A_11 = arith.constant 0 : index
    %get3A_12 = arith.constant 0 : index
    %get3A_13 = arith.constant 0 : index
    %get3A_14 = vector.load %arg2[%get3A_11, %get3A_12, %get3A_13] : memref<2x400x128xf32, #tpu.memory_space<vmem>>, vector<1x400x128xf32>
    %get3A_15 = vector.shape_cast %get3A_14 : vector<1x400x128xf32> to vector<400x128xf32>
    %get3A_16 = arith.constant 1 : index
    %get3A_17 = arith.constant 0 : index
    %get3A_18 = arith.constant 0 : index
    %get3A_19 = vector.load %arg2[%get3A_16, %get3A_17, %get3A_18] : memref<2x400x128xf32, #tpu.memory_space<vmem>>, vector<1x400x128xf32>
    %get3A_20 = vector.shape_cast %get3A_19 : vector<1x400x128xf32> to vector<400x128xf32>
    %add3A_21 = arith.addf %get3A_15, %get3A_20 : vector<400x128xf32>
    %div3A = vector.broadcast %max3A_10 : vector<400x1xf32> to vector<400x128xf32>
    %div3A_22 = arith.divf %add3A_21, %div3A : vector<400x128xf32>
    %get3A_23 = arith.constant 0 : index
    %get3A_24 = arith.constant 0 : index
    %get3A_25 = vector.load %arg1[%get3A_23, %get3A_24] : memref<400x128xf32, #tpu.memory_space<vmem>>, vector<400x128xf32>
    %get3A_26 = arith.constant 0 : index
    %get3A_27 = arith.constant 0 : index
    %get3A_28 = vector.load %arg4[%get3A_26, %get3A_27] : memref<128x256xf32, #tpu.memory_space<vmem>>, vector<128x256xf32>
    %slice3A = vector.extract_strided_slice %get3A_28 {offsets = [0, 0], sizes = [128, 128], strides = [1, 1]} : vector<128x256xf32> to vector<128x128xf32>
    %dot_general3A = arith.constant dense<0.000000e+00> : vector<400x128xf32>
    %dot_general3A_29 = tpu.matmul %get3A_25, %slice3A, %dot_general3A {dimension_numbers = #tpu.dot_dimension_numbers<[1], [1], [0], [0], [0, 0, 1, 0], [], []>, transpose_lhs_hint = false} : vector<400x128xf32>, vector<128x128xf32>, vector<400x128xf32> -> vector<400x128xf32>
    %slice3A_30 = vector.extract_strided_slice %get3A_28 {offsets = [0, 128], sizes = [128, 128], strides = [1, 1]} : vector<128x256xf32> to vector<128x128xf32>
    %dot_general3A_31 = arith.constant dense<0.000000e+00> : vector<400x128xf32>
    %dot_general3A_32 = tpu.matmul %div3A_22, %slice3A_30, %dot_general3A_31 {dimension_numbers = #tpu.dot_dimension_numbers<[1], [1], [0], [0], [0, 0, 1, 0], [], []>, transpose_lhs_hint = false} : vector<400x128xf32>, vector<128x128xf32>, vector<400x128xf32> -> vector<400x128xf32>
    %add3A_33 = arith.addf %dot_general3A_29, %dot_general3A_32 : vector<400x128xf32>
    %get3A_34 = arith.constant 0 : index
    %get3A_35 = arith.constant 0 : index
    %get3A_36 = vector.load %arg5[%get3A_34, %get3A_35] : memref<1x128xf32, #tpu.memory_space<vmem>>, vector<1x128xf32>
    %add3A_37 = vector.broadcast %get3A_36 : vector<1x128xf32> to vector<400x128xf32>
    %add3A_38 = arith.addf %add3A_33, %add3A_37 : vector<400x128xf32>
    %mul3A = arith.mulf %add3A_38, %add3A_38 : vector<400x128xf32>
    %reduce_sum3A = arith.constant dense<0.000000e+00> : vector<400xf32>
    %reduce_sum3A_39 = vector.multi_reduction <add>, %mul3A, %reduce_sum3A [1] : vector<400x128xf32> to vector<400xf32>
    %broadcast_in_dim3A = vector.shape_cast %reduce_sum3A_39 : vector<400xf32> to vector<400x1xf32>
    %sqrt3A = math.sqrt %broadcast_in_dim3A : vector<400x1xf32>
    %max3A_40 = arith.constant 9.99999997E-7 : f32
    %max3A_41 = vector.broadcast %max3A_40 : f32 to vector<400x1xf32>
    %max3A_42 = arith.maximumf %sqrt3A, %max3A_41 : vector<400x1xf32>
    %div3A_43 = vector.broadcast %max3A_42 : vector<400x1xf32> to vector<400x128xf32>
    %div3A_44 = arith.divf %add3A_38, %div3A_43 : vector<400x128xf32>
    %swap3A = arith.constant 0 : index
    %swap3A_45 = arith.constant 0 : index
    %swap3A_46 = vector.load %arg6[%swap3A, %swap3A_45] : memref<400x128xf32, #tpu.memory_space<vmem>>, vector<400x128xf32>
    tpu.vector_store %arg6[%swap3A, %swap3A_45], %div3A_44 {strides = array<i32>} : memref<400x128xf32, #tpu.memory_space<vmem>>, vector<400x128xf32>,
    return
  }
  func.func @transform_0(%arg0: i32) -> (i32, i32) {
    %c0_i32 = arith.constant 0 : i32
    %c0_i32_0 = arith.constant 0 : i32
    return %arg0, %c0_i32 : i32, i32
  }
  func.func @transform_1(%arg0: i32) -> (i32, i32, i32) {
    %c0_i32 = arith.constant 0 : i32
    %c0_i32_0 = arith.constant 0 : i32
    %c0_i32_1 = arith.constant 0 : i32
    return %c0_i32, %arg0, %c0_i32_0 : i32, i32, i32
  }
  func.func @transform_2(%arg0: i32) -> (i32, i32, i32) {
    %c0_i32 = arith.constant 0 : i32
    %c0_i32_0 = arith.constant 0 : i32
    %c0_i32_1 = arith.constant 0 : i32
    return %c0_i32, %arg0, %c0_i32_0 : i32, i32, i32
  }
  func.func @transform_3(%arg0: i32) -> (i32, i32) {
    %c0_i32 = arith.constant 0 : i32
    %c0_i32_0 = arith.constant 0 : i32
    %c0_i32_1 = arith.constant 0 : i32
    return %c0_i32, %c0_i32_0 : i32, i32
  }
  func.func @transform_4(%arg0: i32) -> (i32, i32) {
    %c0_i32 = arith.constant 0 : i32
    %c0_i32_0 = arith.constant 0 : i32
    %c0_i32_1 = arith.constant 0 : i32
    return %c0_i32, %c0_i32_0 : i32, i32
  }
  func.func @transform_5(%arg0: i32) -> (i32, i32) {
    %c0_i32 = arith.constant 0 : i32
    %c0_i32_0 = arith.constant 0 : i32
    return %arg0, %c0_i32 : i32, i32
  }
}

</mosaic_0001>

<sc_bundles>
// kernel: kernel.12.cloned.1.call-start
scs
__scs_entry_jumppad:
0x0: {  	(pc) =	sbr.rel $0x88, $3  }
0x1: {  	(tag) =	ssettag $0x0;
	lr =	simm.s32 $0x1  }
0x2: {  	[smem:$0x3F99] =	sst lr;
	_ =	strace $0xD0000000  }
0x3: {  	_ = 	snop  }
0x4: {  	_ = 	snop  }
0x5: {  	_ = 	snop  }
0x6: {  	_ = 	snop  }
0x7: {  	_ = 	snop  }
__scs_overlays_trampoline_lowered:
0x8: {  	[smem:$0x3FA8] =	sst s0  }
0x9: {  	[smem:$0x3FA9] =	sst s1  }
0xa: {  	[smem:$0x3FAA] =	sst s2  }
0xb: {  	[smem:$0x3FAB] =	sst s3  }
0xc: {  	[smem:$0x3FAC] =	sst s4  }
0xd: {  	[smem:$0x3FAD] =	sst s5  }
0xe: {  	[smem:$0x3FAE] =	sst s6  }
0xf: {  	[smem:$0x3FAF] =	sst s7  }
0x10: {  	[smem:$0x3FB0] =	sst s8  }
0x11: {  	[smem:$0x3FB1] =	sst s9;
	s0 =	simm.s32 @!p0 $0x0  }
0x12: {  	s1 =	sld [smem:$0x3F97];
	s0 =	simm.s32 @p0 $0x1  }
0x13: {  	[smem:$0x3FB2] =	sst s0;
	s0 =	simm.s32 @!p1 $0x0  }
0x14: {  	s2 =	sld [smem:$0x3F96];
	s0 =	simm.s32 @p1 $0x1  }
0x15: {  	[smem:$0x3FB3] =	sst s0;
	s0 =	simm.s32 @!p2 $0x0  }
0x16: {  	s3 =	sld [smem:$0x3FDB];
	s0 =	simm.s32 @p2 $0x1  }
0x17: {  	s4 =	simm.s32 $0x1BF5;
	[smem:$0x3FB5] =	sst s0  }
0x18: {  	s0 =	sld [smem:$0x3F98];
	_ =	swait.ge [sflag:s4], $0x0  }
0x19: {  	s7 =	sld [smem:$0x3F99]  }
0x1a: {  	s8 =	sadd.s32 $0xFFFFE003, lr  }
0x1b: {  	s9 =	sadd.s32 $0xFFFFFEF7, lr;
	s5 =	simm.s32 $0xFFFFFFFF;
	p2 =	slt.u32 s8, $0xFFFFF086  }
0x1c: {  	p1 =	slt.u32 s9, $0xF7A;
	s5 =	simm.s32 @!p2 $0x0  }
0x1d: {  	s5 =	simm.s32 @p1 $0x1;
	p0 =	seq.s32 s7, s2  }
0x1e: {  	s7 =	smul.u32 @!p0 $0xF7A, s2;
	p2 =	seq.s32 @!p0 s5, $0x0  }
0x1f: {  	s9 =	smul.u32 $0xF7A, s1;
	s8 =	simm.s32 @!p0 $0x1BF5;
	p2 =	por !p2, p0  }
0x20: {  	[sflag:s8] =	ssyncset.s32 @!p0 $0xFFFFF086;
	s6 =	sadd.s32 @!p0 s3, s7;
	s7 =	simm.s32 @!p0 $0x108  }
0x21: {  	s3 =	sadd.s32 s3, s9;
	s6 =	sadd.s32 @!p0 $0x88, s6;
	s7 =	simm.s32 @p2 $0x1082  }
0x22: {  	[simem:s7], [sflag:s8] =	dma.local @!p0 [hbm:s6], $0xF7A  }
0x23: {  	s9 =	sor.u32 $0xD0000000, s2;
	s6 =	simm.s32 $0x108;
	_ =	swait.ge @!p0 [sflag:s8], $0x0  }
0x24: {  	s3 =	sadd.s32 $0x88, s3;
	s6 =	simm.s32 @!p1 $0x1082;
	[sflag:s4] =	ssyncset.s32 $0xFFFFF086  }
0x25: {  	[simem:s6], [sflag:s4] =	dma.local [hbm:s3], $0xF7A  }
0x26: {  	[smem:$0x3F99] =	sst s1;
	(tag) =	ssettag s2;
	_ =	strace s9  }
0x27: {  	s1 =	sld [smem:$0x3FA9]  }
0x28: {  	s2 =	sld [smem:$0x3FAA]  }
0x29: {  	s4 =	sld [smem:$0x3FAC]  }
0x2a: {  	p0 =	seq.s32 s5, $0x0;
	s5 =	sld [smem:$0x3FAD]  }
0x2b: {  	s6 =	sld [smem:$0x3FAE]  }
0x2c: {  	s7 =	sld [smem:$0x3FAF]  }
0x2d: {  	s3 =	simm.s32 $0x108;
	s8 =	sld [smem:$0x3FB0]  }
0x2e: {  	s3 =	simm.s32 @!p0 $0x1082;
	s9 =	sld [smem:$0x3FB1]  }
0x2f: {  	lr =	sadd.s32 s0, s3;
	s0 =	sld [smem:$0x3FA8]  }
0x30: {  	s3 =	sld [smem:$0x3FAB]  }
0x31: {  	[smem:$0x3FB4] =	sst s10  }
0x32: {  	s10 =	sld [smem:$0x3FB2];
	_ =	sdelay $0x3  }
0x33: {  	p0 =	seq.s32 s10, $0x1;
	s10 =	sld [smem:$0x3FB4];
	_ =	sdelay $0x3  }
0x34: {  	[smem:$0x3FB4] =	sst s10  }
0x35: {  	s10 =	sld [smem:$0x3FB3];
	_ =	sdelay $0x3  }
0x36: {  	p1 =	seq.s32 s10, $0x1;
	s10 =	sld [smem:$0x3FB4];
	_ =	sdelay $0x3  }
0x37: {  	[smem:$0x3FB4] =	sst s10  }
0x38: {  	s10 =	sld [smem:$0x3FB5]  }
0x39: {  	_ = 	snop;
	(pc) =	sbr.ind lr, $3  }
0x3a: {  	_ = 	snop  }
0x3b: {  	_ = 	snop  }
0x3c: {  	p2 =	seq.s32 s10, $0x1;
	s10 =	sld [smem:$0x3FB4]  }
0x3d: {  	_ =	shalt  }
0x3e: {  	_ =	shalt  }
0x3f: {  	_ =	shalt  }
0x40: {  	_ =	shalt  }
0x41: {  	_ =	shalt  }
0x42: {  	_ =	shalt  }
0x43: {  	_ =	shalt  }
0x44: {  	_ =	shalt  }
0x45: {  	_ =	shalt  }
0x46: {  	_ =	shalt  }
0x47: {  	_ =	shalt  }
0x48: {  	_ =	shalt  }
0x49: {  	_ =	shalt  }
0x4a: {  	_ =	shalt  }
0x4b: {  	_ =	shalt  }
0x4c: {  	_ =	shalt  }
0x4d: {  	_ =	shalt  }
0x4e: {  	_ =	shalt  }
0x4f: {  	_ =	shalt  }
0x50: {  	_ =	shalt  }
0x51: {  	_ =	shalt  }
0x52: {  	_ =	shalt  }
0x53: {  	_ =	shalt  }
0x54: {  	_ =	shalt  }
0x55: {  	_ =	shalt  }
0x56: {  	_ =	shalt  }
0x57: {  	_ =	shalt  }
0x58: {  	_ =	shalt  }
0x59: {  	_ =	shalt  }
0x5a: {  	_ =	shalt  }
0x5b: {  	_ =	shalt  }
0x5c: {  	_ =	shalt  }
0x5d: {  	_ =	shalt  }
0x5e: {  	_ =	shalt  }
0x5f: {  	_ =	shalt  }
0x60: {  	_ =	shalt  }
0x61: {  	_ =	shalt  }
0x62: {  	_ =	shalt  }
0x63: {  	_ =	shalt  }
0x64: {  	_ =	shalt  }
0x65: {  	_ =	shalt  }
0x66: {  	_ =	shalt  }
0x67: {  	_ =	shalt  }
0x68: {  	_ =	shalt  }
0x69: {  	_ =	shalt  }
0x6a: {  	_ =	shalt  }
0x6b: {  	_ =	shalt  }
0x6c: {  	_ =	shalt  }
0x6d: {  	_ =	shalt  }
0x6e: {  	_ =	shalt  }
0x6f: {  	_ =	shalt  }
0x70: {  	_ =	shalt  }
0x71: {  	_ =	shalt  }
0x72: {  	_ =	shalt  }
0x73: {  	_ =	shalt  }
0x74: {  	_ =	shalt  }
0x75: {  	_ =	shalt  }
0x76: {  	_ =	shalt  }
0x77: {  	_ =	shalt  }
0x78: {  	_ =	shalt  }
0x79: {  	_ =	shalt  }
0x7a: {  	_ =	shalt  }
0x7b: {  	_ =	shalt  }
0x7c: {  	_ =	shalt  }
0x7d: {  	_ =	shalt  }
0x7e: {  	_ =	shalt  }
0x7f: {  	_ =	shalt  }
0x80: {  	_ =	shalt  }
0x81: {  	_ =	shalt  }
0x82: {  	_ =	shalt  }
0x83: {  	_ =	shalt  }
0x84: {  	_ =	shalt  }
0x85: {  	_ =	shalt  }
0x86: {  	_ =	shalt  }
0x87: {  	_ =	shalt  }
.Lfunc_end0:
.L_simem_size_0:
called_computation.1_lowered:
.L_overlay_start_0:
0x88: {  	s2 =	sld [smem:$0x3FD9]  }
0x89: {  	s3 =	sld [smem:$0x3FFE];
	_ =	sdelay $0x1  }
0x8a: {  	s1 =	srdreg.scid  }
0x8b: {  	s0 =	sand.u32 $0x1, s1  }
0x8c: {  	s17 =	sshll.u32 s0, $0xA;
	s2 =	sadd.s32 s3, s2  }
0x8d: {  	s2 =	sadd.s32 s2, s17  }
0x8e: {  	[smem:$0x3FC0] =	sst s2  }
0x8f: {  	_ = 	snop  }
0x90: {  	s2 =	sld [smem:$0x3FD0];
	(tm) =	ssettm $0x1  }
0x91: {  	s18 =	sld [smem:$0x3FFB];
	_ =	sdelay $0x3  }
0x92: {  	_ =	strace s18  }
0x93: {  	s3 =	sld [smem:$0x3FFC];
	_ =	sdelay $0x3  }
0x94: {  	_ =	strace s3  }
0x95: {  	s3 =	sld [smem:$0x3FFD];
	_ =	sdelay $0x3  }
0x96: {  	_ =	strace s3  }
0x97: {  	_ =	strace $0x8FFFFFFF  }
0x98: {  	s19 =	sld [smem:$0x3FDB];
	_ =	sdelay $0x1  }
0x99: {  	s4 =	simm.s32 $_scs_section_size  }
0x9a: {  	s5 =	simm.s32 $_size__tile_overlayer_lowered;
	s6 =	simm.s32 $_tile_overlayer_lowered  }
0x9b: {  	s22 =	simm.s32 $0x1BFF;
	s21 =	sshll.u32 s6, $0x1;
	s3 =	sadd.s32 s4, s19  }
0x9c: {  	s7 =	simm.s32 $0x0;
	s20 =	sshll.u32 s5, $0x1;
	s5 =	sadd.s32 s21, s3  }
0x9d: {  	[timem:s7], [sflag:s22] =	dma.local [hbm:s5], s20  }
0x9e: {  	_ =	swait.ge [sflag:s22], s20  }
0x9f: {  	s4 =	ssub.s32 $0x0, s20;
	[sflag:s22] =	ssyncset.done $0x0  }
0xa0: {  	[sflag:s22] =	ssyncadd.s32 s4;
	_ =	sdelay $0x1  }
0xa1: {  	s23 =	simm.s32 $0x1B8B  }
0xa2: {  	_ =	swait.ge [sflag:s23], $0x1  }
0xa3: {  	[sflag:s23] =	ssyncset.done $0x0  }
0xa4: {  	s25 =	simm.s32 $0x1B8E;
	s24 =	sld [smem:$0x3FFE];
	[sflag:s23] =	ssyncadd.s32 $0xFFFFFFFF  }
0xa5: {  	s26 =	simm.s32 $execute0_lowered;
	[smem:$0x3FD2] =	sst s25  }
0xa6: {  	s5 =	sshll.u32 s26, $0x1;
	_ =	strace $0x80000046;
	[dreg:$0x1] =	wrdreg $0xFFFFFFFF  }
0xa7: {  	s28 =	simm.s32 $_size_execute0_lowered;
	s3 =	sadd.s32 s3, s5;
	[dreg:$0x0] =	wrdreg $0x0  }
0xa8: {  	s5 =	sshll.u32 s28, $0x1;
	[dreg:$0x2] =	wrdreg s3  }
0xa9: {  	[dreg:$0x3] =	wrdreg s5  }
0xaa: {  	[dreg:$0x4] =	wrdreg $0xC0  }
0xab: {  	_ =	task [dreg:s7], $0x5FFFF  }
0xac: {  	[dreg:$0x1] =	wrdreg $0xFFFFFFFF  }
0xad: {  	[dreg:$0x0] =	wrdreg $0x60  }
0xae: {  	[dreg:$0x2] =	wrdreg s24  }
0xaf: {  	[dreg:$0x3] =	wrdreg s2  }
0xb0: {  	[dreg:$0x4] =	wrdreg $0xA8000  }
0xb1: {  	[dreg:$0x5] =	wrdreg $0xA  }
0xb2: {  	_ =	task.clear_ibuf [dreg:s7], $0x6FFFF;
	_ =	strace $0x90000046  }
0xb3: {  	s29 =	simm.s32 $0xA;
	_ =	strace $0x80000048  }
0xb4: {  	_ =	swait.ge [sflag:s29], $0x1  }
0xb5: {  	[sflag:s29] =	ssyncadd.s32 $0xFFFFFFFF  }
0xb6: {  	_ =	strace $0x90000048  }
0xb7: {  	_ =	sfence  }
0xb8: {  	s30 =	sld [smem:$0x0];
	_ =	sdelay $0x2  }
0xb9: {  	s31 =	sshll.u32 s1, $0xD;
	s1 =	sshrl.u32 s1, $0x2  }
0xba: {  	s3 =	sand.u32 $0x4000, s31;
	s1 =	sadd.s32 s1, s30  }
0xbb: {  	s0 =	sor.u32 s3, s0;
	s1 =	sshll.u32 s1, $0x11  }
0xbc: {  	s0 =	sor.u32 s1, s0  }
0xbd: {  	s0 =	sadd.s32 $0x8F2B, s0  }
0xbe: {  	[sflag:s0] =	ssyncadd.remote.s32 $0x1  }
0xbf: {  	_ =	sfence.sel $0xFFFF  }
0xc0: {  	[dreg:$0x0] =	wrdreg $0xFFFFFFFF;
	(pc) =	sbr.abs _section_cstart, $3  }
0xc1: {  	[dreg:$0x1] =	wrdreg $0xFFFFFFFF  }
0xc2: {  	_ =	task.clear_ibuf [dreg:s7], $0x2FFFF;
	_ =	strace $0x9FFFFFFF  }
0xc3: {  	(tm) =	ssettm $0x7FFFFFFF  }
tec
execute0_lowered:
.L_overlay_start_1:
0x0: {  	(tag) =	ssettag $0x1  }
0x1: {  	s6 =	rddreg [dreg:$0x0]  }
0x2: {  	s1 =	rddreg [dreg:$0x1]  }
0x3: {  	s2 =	rddreg [dreg:$0x2]  }
0x4: {  	s0 =	rddreg [dreg:$0x3];
	s4 =	simm.s32 $0x0;
	s3 =	srdreg.scid  }
0x5: {  	s13 =	simm.s32 $0x4000;
	s14 =	simm.s32 $0x50;
	s15 =	simm.s32 $0x8000  }
0x6: {  	s16 =	simm.s32 $0x1;
	[smem:$0x7FF] =	sst s4;
	s7 =	sand.u32 $0x1, s3  }
0x7: {  	s17 =	simm.s32 $0x0;
	s3 =	stileid.u32;
	s5 =	smul.u32 $0x13C000, s7  }
0x8: {  	s8 =	sshll.u32 s3, $0xC;
	s9 =	sshll.u32 s7, $0xB;
	s10 =	smul.u32 $0x13C00, s3  }
0x9: {  	_ =	strace $0x80000047;
	s29 =	smul.u32 $0x4F000, s3;
	s7 =	ssub.s32 $0x2, s7  }
0xa: {  	s31 =	sshll.u32 s3, $0x6;
	s8 =	sor.u32 s9, s8;
	s30 =	sshrl.u32 s7, $0x1  }
0xb: {  	s8 =	sadd.s32 s8, s6;
	s28 =	sadd.s32 s10, s5;
	s5 =	sadd.s32 $0x22C00, s6  }
0xc: {  	s10 =	sshrl.u32 s29, $0x2;
	s11 =	ssub.s32 s7, s30;
	s9 =	sshrl.u32 s28, $0x3  }
0xd: {  	s12 =	sadd.s32 s10, s2;
	s7 =	sadd.s32 $0x12C00, s8;
	s8 =	sadd.s32 $0x2C00, s8  }
0xe: {  	s10 =	smax.u32 s11, $0x1;
	s9 =	sadd.s32 s9, s6;
	s6 =	sor.u32 $0x1C02, s31  }
0xf: {  	s11 =	sshrl.u32 s12, $0x3;
	s12 =	simm.s32 $0x2;
	s9 =	sadd.s32 $0x25400, s9  }
.LBB2_1:
0x10: {  	[spmem:s11], [sflag:s6] =	dma.local [hbm:s5], $0x2780  }
0x11: {  	_ =	swait.ge [sflag:s12], $0x2780  }
0x12: {  	[sflag:s12] =	ssyncset.done $0x0  }
0x13: {  	[sflag:s12] =	ssyncadd.s32 $0xFFFFD880  }
0x14: {  	[tilespmem:s4], [sflag:$0x2] =	stream.linear.gather [hbm4b:s7+s4], $0x3E80, $0x38;
	[tilespmem:$0x1E400] =	vst v63  }
0x15: {  	_ =	swait.ge [sflag:s12], $0x3E80  }
0x16: {  	[sflag:s12] =	ssyncset.done $0x0  }
0x17: {  	[sflag:s12] =	ssyncadd.s32 $0xFFFFC180  }
0x18: {  	[tilespmem:s13], [sflag:$0x2] =	stream.linear.gather [hbm4b:s8+s4], $0x3E80, $0x38;
	[tilespmem:$0x1E400] =	vst v63  }
0x19: {  	_ =	swait.ge [sflag:s12], $0x3E80  }
0x1a: {  	[sflag:s12] =	ssyncset.done $0x0  }
0x1b: {  	[sflag:s12] =	ssyncadd.s32 $0xFFFFC180  }
0x1c: {  	s18 =	simm.s32 $0x0;
	[bflag:$0x0] =	sbarrier.arrive $0xFFFF  }
0x1d: {  	[tilespmem:s15], [sflag:$0x1] =	stream.indirect.gather [hbm4b:s1+s14], $0x80, s18, s14, $0xb8;
	[tilespmem:$0x1E400] =	vst v63  }
0x1e: {  	_ =	swait.ge [sflag:s16], $0x2800  }
0x1f: {  	[sflag:s16] =	ssyncset.done $0x0  }
0x20: {  	s31 =	simm.s32 $0x4000;
	[sflag:s16] =	ssyncadd.s32 $0xFFFFD800  }
0x21: {  	[spmem:s2] =	stream.indirect.scatter.add.f32 [tilespmem:s15], [sflag:$0x2], $0x80, s31, s14, $0xb8;
	[tilespmem:$0x1E400] =	vst v63  }
0x22: {  	_ =	swait.ge [sflag:s12], $0x2800  }
0x23: {  	s19 =	simm.s32 $0x400;
	s18 =	simm.s32 $0x200;
	[sflag:s12] =	ssyncset.done $0x0  }
.LBB2_2:
0x24: {  	s20 =	sshra.s32 s18, $0x2  }
0x25: {  	[sflag:s12] =	ssyncadd.s32 $0xFFFFD800;
	s18 =	smov.u32 s19;
	s21 =	sadd.s32 $0x200, s19  }
0x26: {  	[tilespmem:s15], [sflag:$0x1] =	stream.indirect.gather [hbm4b:s1+s14], $0x80, s20, s14, $0xb8;
	[tilespmem:$0x1E400] =	vst v63  }
0x27: {  	p0 =	sne.s32 s19, $0xF800;
	_ =	swait.ge [sflag:s16], $0x2800  }
.Ltmp0:
0x28: {  	[sflag:s16] =	ssyncset.done $0x0;
	(pc) =	sbr.rel @p0 .LBB2_2-.Ltmp0, $4  }
0x29: {  	s19 =	sadd.s32 $0x4000, s20;
	[sflag:s16] =	ssyncadd.s32 $0xFFFFD800  }
0x2a: {  	[spmem:s2] =	stream.indirect.scatter.add.f32 [tilespmem:s15], [sflag:$0x2], $0x80, s19, s14, $0xb8;
	[tilespmem:$0x1E400] =	vst v63  }
0x2b: {  	_ =	swait.ge [sflag:s12], $0x2800  }
0x2c: {  	s19 =	smov.u32 s21;
	[sflag:s12] =	ssyncset.done $0x0  }
0x2d: {  	s18 =	sshra.s32 s18, $0x2;
	[sflag:s12] =	ssyncadd.s32 $0xFFFFD800  }
0x2e: {  	[tilespmem:s15], [sflag:$0x1] =	stream.indirect.gather [hbm4b:s1+s14], $0x80, s18, s14, $0xb8;
	[tilespmem:$0x1E400] =	vst v63  }
0x2f: {  	_ =	swait.ge [sflag:s16], $0x2800  }
0x30: {  	[sflag:s16] =	ssyncset.done $0x0  }
0x31: {  	s18 =	sadd.s32 $0x4000, s18;
	[sflag:s16] =	ssyncadd.s32 $0xFFFFD800  }
0x32: {  	[spmem:s2] =	stream.indirect.scatter.add.f32 [tilespmem:s15], [sflag:$0x2], $0x80, s18, s14, $0xb8;
	[tilespmem:$0x1E400] =	vst v63  }
0x33: {  	_ =	swait.ge [sflag:s12], $0x2800  }
0x34: {  	s17 =	sadd.s32 $0x1, s17;
	[sflag:s12] =	ssyncset.done $0x0  }
0x35: {  	p0 =	sne.s32 s17, s10;
	[sflag:s12] =	ssyncadd.s32 $0xFFFFD800  }
.Ltmp1:
0x36: {  	[bflag:$0x0] =	sbarrier.arrive $0xFFFF;
	(pc) =	sbr.rel @p0 .LBB2_1-.Ltmp1, $4  }
0x37: {  	[hbm:s9], [sflag:s6] =	dma.local [spmem:s11], $0x2780  }
0x38: {  	_ =	swait.ge [sflag:s12], $0x2780  }
0x39: {  	[sflag:s12] =	ssyncset.done $0x0  }
0x3a: {  	[sflag:s12] =	ssyncadd.s32 $0xFFFFD880  }
0x3b: {  	_ =	sfence.sel $0x180000  }
0x3c: {  	[bflag:$0x0] =	sbarrier.arrive $0xFFFF  }
0x3d: {  	p0 =	sne.s32 s3, $0x0;
	_ =	strace $0x90000047  }
0x3e: {  	s0 =	sadd.s32 @!p0 $0x100000, s0;
	[bflag:$0x2] =	sbarrier.arrive $0xFFFF  }
0x3f: {  	[sflag:s0] =	ssyncadd.tile.s32 @!p0 $0x1;
	_ =	shalt  }
.Lfunc_end2:
_tile_overlayer_lowered:
.L_overlay_start_2:
0x40: {  	(tag) =	ssettag $0x2  }
0x41: {  	s0 =	rddreg [dreg:$0x0];
	s2 =	stileid.u32  }
0x42: {  	s1 =	rddreg [dreg:$0x1];
	p0 =	sne.s32 s2, $0x0  }
0x43: {  	s3 =	rddreg [dreg:$0x2];
	[bflag:$0x3] =	sbarrier.arrive $0xFFFF;
	s2 =	simm.s32 @!p0 $0x1C02  }
0x44: {  	[timem:s3], [sflag:s2] =	dma.local @!p0 [hbm:s0], s1  }
0x45: {  	s0 =	simm.s32 @!p0 $0x2  }
0x46: {  	_ =	swait.ge @!p0 [sflag:s0], s1  }
0x47: {  	s1 =	ssub.s32 @!p0 $0x0, s1;
	[sflag:s0] =	ssyncset.done @!p0 $0x0  }
0x48: {  	[sflag:s0] =	ssyncadd.s32 @!p0 s1  }
0x49: {  	[bflag:$0x3] =	sbarrier.arrive $0xFFFF  }
0x4a: {  	_ =	shalt  }

// kernel: kernel.15.cloned.1.call-start
scs
__scs_entry_jumppad:
0x0: {  	(pc) =	sbr.rel $0x88, $3  }
0x1: {  	(tag) =	ssettag $0x0;
	lr =	simm.s32 $0x1  }
0x2: {  	[smem:$0x3F99] =	sst lr;
	_ =	strace $0xD0000000  }
0x3: {  	_ = 	snop  }
0x4: {  	_ = 	snop  }
0x5: {  	_ = 	snop  }
0x6: {  	_ = 	snop  }
0x7: {  	_ = 	snop  }
__scs_overlays_trampoline_lowered:
0x8: {  	[smem:$0x3FA8] =	sst s0  }
0x9: {  	[smem:$0x3FA9] =	sst s1  }
0xa: {  	[smem:$0x3FAA] =	sst s2  }
0xb: {  	[smem:$0x3FAB] =	sst s3  }
0xc: {  	[smem:$0x3FAC] =	sst s4  }
0xd: {  	[smem:$0x3FAD] =	sst s5  }
0xe: {  	[smem:$0x3FAE] =	sst s6  }
0xf: {  	[smem:$0x3FAF] =	sst s7  }
0x10: {  	[smem:$0x3FB0] =	sst s8  }
0x11: {  	[smem:$0x3FB1] =	sst s9;
	s0 =	simm.s32 @!p0 $0x0  }
0x12: {  	s1 =	sld [smem:$0x3F97];
	s0 =	simm.s32 @p0 $0x1  }
0x13: {  	[smem:$0x3FB2] =	sst s0;
	s0 =	simm.s32 @!p1 $0x0  }
0x14: {  	s2 =	sld [smem:$0x3F96];
	s0 =	simm.s32 @p1 $0x1  }
0x15: {  	[smem:$0x3FB3] =	sst s0;
	s0 =	simm.s32 @!p2 $0x0  }
0x16: {  	s3 =	sld [smem:$0x3FDB];
	s0 =	simm.s32 @p2 $0x1  }
0x17: {  	s4 =	simm.s32 $0x1BF5;
	[smem:$0x3FB5] =	sst s0  }
0x18: {  	s0 =	sld [smem:$0x3F98];
	_ =	swait.ge [sflag:s4], $0x0  }
0x19: {  	s7 =	sld [smem:$0x3F99]  }
0x1a: {  	s8 =	sadd.s32 $0xFFFFE003, lr  }
0x1b: {  	s9 =	sadd.s32 $0xFFFFFEF7, lr;
	s5 =	simm.s32 $0xFFFFFFFF;
	p2 =	slt.u32 s8, $0xFFFFF086  }
0x1c: {  	p1 =	slt.u32 s9, $0xF7A;
	s5 =	simm.s32 @!p2 $0x0  }
0x1d: {  	s5 =	simm.s32 @p1 $0x1;
	p0 =	seq.s32 s7, s2  }
0x1e: {  	s7 =	smul.u32 @!p0 $0xF7A, s2;
	p2 =	seq.s32 @!p0 s5, $0x0  }
0x1f: {  	s9 =	smul.u32 $0xF7A, s1;
	s8 =	simm.s32 @!p0 $0x1BF5;
	p2 =	por !p2, p0  }
0x20: {  	[sflag:s8] =	ssyncset.s32 @!p0 $0xFFFFF086;
	s6 =	sadd.s32 @!p0 s3, s7;
	s7 =	simm.s32 @!p0 $0x108  }
0x21: {  	s3 =	sadd.s32 s3, s9;
	s6 =	sadd.s32 @!p0 $0x88, s6;
	s7 =	simm.s32 @p2 $0x1082  }
0x22: {  	[simem:s7], [sflag:s8] =	dma.local @!p0 [hbm:s6], $0xF7A  }
0x23: {  	s9 =	sor.u32 $0xD0000000, s2;
	s6 =	simm.s32 $0x108;
	_ =	swait.ge @!p0 [sflag:s8], $0x0  }
0x24: {  	s3 =	sadd.s32 $0x88, s3;
	s6 =	simm.s32 @!p1 $0x1082;
	[sflag:s4] =	ssyncset.s32 $0xFFFFF086  }
0x25: {  	[simem:s6], [sflag:s4] =	dma.local [hbm:s3], $0xF7A  }
0x26: {  	[smem:$0x3F99] =	sst s1;
	(tag) =	ssettag s2;
	_ =	strace s9  }
0x27: {  	s1 =	sld [smem:$0x3FA9]  }
0x28: {  	s2 =	sld [smem:$0x3FAA]  }
0x29: {  	s4 =	sld [smem:$0x3FAC]  }
0x2a: {  	p0 =	seq.s32 s5, $0x0;
	s5 =	sld [smem:$0x3FAD]  }
0x2b: {  	s6 =	sld [smem:$0x3FAE]  }
0x2c: {  	s7 =	sld [smem:$0x3FAF]  }
0x2d: {  	s3 =	simm.s32 $0x108;
	s8 =	sld [smem:$0x3FB0]  }
0x2e: {  	s3 =	simm.s32 @!p0 $0x1082;
	s9 =	sld [smem:$0x3FB1]  }
0x2f: {  	lr =	sadd.s32 s0, s3;
	s0 =	sld [smem:$0x3FA8]  }
0x30: {  	s3 =	sld [smem:$0x3FAB]  }
0x31: {  	[smem:$0x3FB4] =	sst s10  }
0x32: {  	s10 =	sld [smem:$0x3FB2];
	_ =	sdelay $0x3  }
0x33: {  	p0 =	seq.s32 s10, $0x1;
	s10 =	sld [smem:$0x3FB4];
	_ =	sdelay $0x3  }
0x34: {  	[smem:$0x3FB4] =	sst s10  }
0x35: {  	s10 =	sld [smem:$0x3FB3];
	_ =	sdelay $0x3  }
0x36: {  	p1 =	seq.s32 s10, $0x1;
	s10 =	sld [smem:$0x3FB4];
	_ =	sdelay $0x3  }
0x37: {  	[smem:$0x3FB4] =	sst s10  }
0x38: {  	s10 =	sld [smem:$0x3FB5]  }
0x39: {  	_ = 	snop;
	(pc) =	sbr.ind lr, $3  }
0x3a: {  	_ = 	snop  }
0x3b: {  	_ = 	snop  }
0x3c: {  	p2 =	seq.s32 s10, $0x1;
	s10 =	sld [smem:$0x3FB4]  }
0x3d: {  	_ =	shalt  }
0x3e: {  	_ =	shalt  }
0x3f: {  	_ =	shalt  }
0x40: {  	_ =	shalt  }
0x41: {  	_ =	shalt  }
0x42: {  	_ =	shalt  }
0x43: {  	_ =	shalt  }
0x44: {  	_ =	shalt  }
0x45: {  	_ =	shalt  }
0x46: {  	_ =	shalt  }
0x47: {  	_ =	shalt  }
0x48: {  	_ =	shalt  }
0x49: {  	_ =	shalt  }
0x4a: {  	_ =	shalt  }
0x4b: {  	_ =	shalt  }
0x4c: {  	_ =	shalt  }
0x4d: {  	_ =	shalt  }
0x4e: {  	_ =	shalt  }
0x4f: {  	_ =	shalt  }
0x50: {  	_ =	shalt  }
0x51: {  	_ =	shalt  }
0x52: {  	_ =	shalt  }
0x53: {  	_ =	shalt  }
0x54: {  	_ =	shalt  }
0x55: {  	_ =	shalt  }
0x56: {  	_ =	shalt  }
0x57: {  	_ =	shalt  }
0x58: {  	_ =	shalt  }
0x59: {  	_ =	shalt  }
0x5a: {  	_ =	shalt  }
0x5b: {  	_ =	shalt  }
0x5c: {  	_ =	shalt  }
0x5d: {  	_ =	shalt  }
0x5e: {  	_ =	shalt  }
0x5f: {  	_ =	shalt  }
0x60: {  	_ =	shalt  }
0x61: {  	_ =	shalt  }
0x62: {  	_ =	shalt  }
0x63: {  	_ =	shalt  }
0x64: {  	_ =	shalt  }
0x65: {  	_ =	shalt  }
0x66: {  	_ =	shalt  }
0x67: {  	_ =	shalt  }
0x68: {  	_ =	shalt  }
0x69: {  	_ =	shalt  }
0x6a: {  	_ =	shalt  }
0x6b: {  	_ =	shalt  }
0x6c: {  	_ =	shalt  }
0x6d: {  	_ =	shalt  }
0x6e: {  	_ =	shalt  }
0x6f: {  	_ =	shalt  }
0x70: {  	_ =	shalt  }
0x71: {  	_ =	shalt  }
0x72: {  	_ =	shalt  }
0x73: {  	_ =	shalt  }
0x74: {  	_ =	shalt  }
0x75: {  	_ =	shalt  }
0x76: {  	_ =	shalt  }
0x77: {  	_ =	shalt  }
0x78: {  	_ =	shalt  }
0x79: {  	_ =	shalt  }
0x7a: {  	_ =	shalt  }
0x7b: {  	_ =	shalt  }
0x7c: {  	_ =	shalt  }
0x7d: {  	_ =	shalt  }
0x7e: {  	_ =	shalt  }
0x7f: {  	_ =	shalt  }
0x80: {  	_ =	shalt  }
0x81: {  	_ =	shalt  }
0x82: {  	_ =	shalt  }
0x83: {  	_ =	shalt  }
0x84: {  	_ =	shalt  }
0x85: {  	_ =	shalt  }
0x86: {  	_ =	shalt  }
0x87: {  	_ =	shalt  }
.Lfunc_end0:
.L_simem_size_0:
called_computation.2_lowered:
.L_overlay_start_0:
0x88: {  	s2 =	sld [smem:$0x3FD9]  }
0x89: {  	s3 =	sld [smem:$0x3FFE];
	_ =	sdelay $0x1  }
0x8a: {  	s1 =	srdreg.scid  }
0x8b: {  	s0 =	sand.u32 $0x1, s1  }
0x8c: {  	s17 =	sshll.u32 s0, $0xA;
	s2 =	sadd.s32 s3, s2  }
0x8d: {  	s2 =	sadd.s32 s2, s17  }
0x8e: {  	[smem:$0x3FC0] =	sst s2  }
0x8f: {  	_ = 	snop  }
0x90: {  	s2 =	sld [smem:$0x3FD0];
	(tm) =	ssettm $0x1  }
0x91: {  	s18 =	sld [smem:$0x3FFB];
	_ =	sdelay $0x3  }
0x92: {  	_ =	strace s18  }
0x93: {  	s3 =	sld [smem:$0x3FFC];
	_ =	sdelay $0x3  }
0x94: {  	_ =	strace s3  }
0x95: {  	s3 =	sld [smem:$0x3FFD];
	_ =	sdelay $0x3  }
0x96: {  	_ =	strace s3  }
0x97: {  	_ =	strace $0x8FFFFFFF  }
0x98: {  	s19 =	sld [smem:$0x3FDB];
	_ =	sdelay $0x1  }
0x99: {  	s4 =	simm.s32 $_scs_section_size  }
0x9a: {  	s5 =	simm.s32 $_size__tile_overlayer_lowered;
	s6 =	simm.s32 $_tile_overlayer_lowered  }
0x9b: {  	s22 =	simm.s32 $0x1BFF;
	s21 =	sshll.u32 s6, $0x1;
	s3 =	sadd.s32 s4, s19  }
0x9c: {  	s7 =	simm.s32 $0x0;
	s20 =	sshll.u32 s5, $0x1;
	s5 =	sadd.s32 s21, s3  }
0x9d: {  	[timem:s7], [sflag:s22] =	dma.local [hbm:s5], s20  }
0x9e: {  	_ =	swait.ge [sflag:s22], s20  }
0x9f: {  	s4 =	ssub.s32 $0x0, s20;
	[sflag:s22] =	ssyncset.done $0x0  }
0xa0: {  	[sflag:s22] =	ssyncadd.s32 s4;
	_ =	sdelay $0x1  }
0xa1: {  	s23 =	simm.s32 $0x1B8B  }
0xa2: {  	_ =	swait.ge [sflag:s23], $0x1  }
0xa3: {  	[sflag:s23] =	ssyncset.done $0x0  }
0xa4: {  	s25 =	simm.s32 $0x1B8E;
	s24 =	sld [smem:$0x3FFE];
	[sflag:s23] =	ssyncadd.s32 $0xFFFFFFFF  }
0xa5: {  	s26 =	simm.s32 $execute0_lowered;
	[smem:$0x3FD2] =	sst s25  }
0xa6: {  	s5 =	sshll.u32 s26, $0x1;
	_ =	strace $0x8000004C;
	[dreg:$0x1] =	wrdreg $0xFFFFFFFF  }
0xa7: {  	s28 =	simm.s32 $_size_execute0_lowered;
	s3 =	sadd.s32 s3, s5;
	[dreg:$0x0] =	wrdreg $0x0  }
0xa8: {  	s5 =	sshll.u32 s28, $0x1;
	[dreg:$0x2] =	wrdreg s3  }
0xa9: {  	[dreg:$0x3] =	wrdreg s5  }
0xaa: {  	[dreg:$0x4] =	wrdreg $0xC0  }
0xab: {  	_ =	task [dreg:s7], $0x5FFFF  }
0xac: {  	[dreg:$0x1] =	wrdreg $0xFFFFFFFF  }
0xad: {  	[dreg:$0x0] =	wrdreg $0x60  }
0xae: {  	[dreg:$0x2] =	wrdreg s24  }
0xaf: {  	[dreg:$0x3] =	wrdreg s2  }
0xb0: {  	[dreg:$0x4] =	wrdreg $0xA8000  }
0xb1: {  	[dreg:$0x5] =	wrdreg $0x9  }
0xb2: {  	_ =	task.clear_ibuf [dreg:s7], $0x6FFFF;
	_ =	strace $0x9000004C  }
0xb3: {  	s29 =	simm.s32 $0x9;
	_ =	strace $0x8000004E  }
0xb4: {  	_ =	swait.ge [sflag:s29], $0x1  }
0xb5: {  	[sflag:s29] =	ssyncadd.s32 $0xFFFFFFFF  }
0xb6: {  	_ =	strace $0x9000004E  }
0xb7: {  	_ =	sfence  }
0xb8: {  	s30 =	sld [smem:$0x0];
	_ =	sdelay $0x2  }
0xb9: {  	s31 =	sshll.u32 s1, $0xD;
	s1 =	sshrl.u32 s1, $0x2  }
0xba: {  	s3 =	sand.u32 $0x4000, s31;
	s1 =	sadd.s32 s1, s30  }
0xbb: {  	s0 =	sor.u32 s3, s0;
	s1 =	sshll.u32 s1, $0x11  }
0xbc: {  	s0 =	sor.u32 s1, s0  }
0xbd: {  	s0 =	sadd.s32 $0x8F2B, s0  }
0xbe: {  	[sflag:s0] =	ssyncadd.remote.s32 $0x1  }
0xbf: {  	_ =	sfence.sel $0xFFFF  }
0xc0: {  	[dreg:$0x0] =	wrdreg $0xFFFFFFFF;
	(pc) =	sbr.abs _section_cstart, $3  }
0xc1: {  	[dreg:$0x1] =	wrdreg $0xFFFFFFFF  }
0xc2: {  	_ =	task.clear_ibuf [dreg:s7], $0x2FFFF;
	_ =	strace $0x9FFFFFFF  }
0xc3: {  	(tm) =	ssettm $0x7FFFFFFF  }
tec
execute0_lowered:
.L_overlay_start_1:
0x0: {  	(tag) =	ssettag $0x1  }
0x1: {  	s6 =	rddreg [dreg:$0x0]  }
0x2: {  	s1 =	rddreg [dreg:$0x1]  }
0x3: {  	s2 =	rddreg [dreg:$0x2]  }
0x4: {  	s0 =	rddreg [dreg:$0x3];
	s4 =	simm.s32 $0x0;
	s3 =	srdreg.scid  }
0x5: {  	s13 =	simm.s32 $0x4000;
	s14 =	simm.s32 $0x50;
	s15 =	simm.s32 $0x8000  }
0x6: {  	s16 =	simm.s32 $0x1;
	[smem:$0x7FF] =	sst s4;
	s7 =	sand.u32 $0x1, s3  }
0x7: {  	s17 =	simm.s32 $0x0;
	s3 =	stileid.u32;
	s5 =	smul.u32 $0x13C000, s7  }
0x8: {  	s8 =	sshll.u32 s3, $0xC;
	s9 =	sshll.u32 s7, $0xB;
	s10 =	smul.u32 $0x13C00, s3  }
0x9: {  	_ =	strace $0x8000004D;
	s29 =	smul.u32 $0x4F000, s3;
	s7 =	ssub.s32 $0x2, s7  }
0xa: {  	s31 =	sshll.u32 s3, $0x6;
	s8 =	sor.u32 s9, s8;
	s30 =	sshrl.u32 s7, $0x1  }
0xb: {  	s8 =	sadd.s32 s8, s6;
	s28 =	sadd.s32 s10, s5;
	s5 =	sadd.s32 $0x22C00, s6  }
0xc: {  	s10 =	sshrl.u32 s29, $0x2;
	s11 =	ssub.s32 s7, s30;
	s9 =	sshrl.u32 s28, $0x3  }
0xd: {  	s12 =	sadd.s32 s10, s2;
	s7 =	sadd.s32 $0x12C00, s8;
	s8 =	sadd.s32 $0x2C00, s8  }
0xe: {  	s10 =	smax.u32 s11, $0x1;
	s9 =	sadd.s32 s9, s6;
	s6 =	sor.u32 $0x1C02, s31  }
0xf: {  	s11 =	sshrl.u32 s12, $0x3;
	s12 =	simm.s32 $0x2;
	s9 =	sadd.s32 $0x25400, s9  }
.LBB2_1:
0x10: {  	[spmem:s11], [sflag:s6] =	dma.local [hbm:s5], $0x2780  }
0x11: {  	_ =	swait.ge [sflag:s12], $0x2780  }
0x12: {  	[sflag:s12] =	ssyncset.done $0x0  }
0x13: {  	[sflag:s12] =	ssyncadd.s32 $0xFFFFD880  }
0x14: {  	[tilespmem:s4], [sflag:$0x2] =	stream.linear.gather [hbm4b:s7+s4], $0x3E80, $0x38;
	[tilespmem:$0x1E400] =	vst v63  }
0x15: {  	_ =	swait.ge [sflag:s12], $0x3E80  }
0x16: {  	[sflag:s12] =	ssyncset.done $0x0  }
0x17: {  	[sflag:s12] =	ssyncadd.s32 $0xFFFFC180  }
0x18: {  	[tilespmem:s13], [sflag:$0x2] =	stream.linear.gather [hbm4b:s8+s4], $0x3E80, $0x38;
	[tilespmem:$0x1E400] =	vst v63  }
0x19: {  	_ =	swait.ge [sflag:s12], $0x3E80  }
0x1a: {  	[sflag:s12] =	ssyncset.done $0x0  }
0x1b: {  	[sflag:s12] =	ssyncadd.s32 $0xFFFFC180  }
0x1c: {  	s18 =	simm.s32 $0x0;
	[bflag:$0x0] =	sbarrier.arrive $0xFFFF  }
0x1d: {  	[tilespmem:s15], [sflag:$0x1] =	stream.indirect.gather [hbm4b:s1+s14], $0x80, s18, s14, $0xb8;
	[tilespmem:$0x1E400] =	vst v63  }
0x1e: {  	_ =	swait.ge [sflag:s16], $0x2800  }
0x1f: {  	[sflag:s16] =	ssyncset.done $0x0  }
0x20: {  	s31 =	simm.s32 $0x4000;
	[sflag:s16] =	ssyncadd.s32 $0xFFFFD800  }
0x21: {  	[spmem:s2] =	stream.indirect.scatter.add.f32 [tilespmem:s15], [sflag:$0x2], $0x80, s31, s14, $0xb8;
	[tilespmem:$0x1E400] =	vst v63  }
0x22: {  	_ =	swait.ge [sflag:s12], $0x2800  }
0x23: {  	s19 =	simm.s32 $0x400;
	s18 =	simm.s32 $0x200;
	[sflag:s12] =	ssyncset.done $0x0  }
.LBB2_2:
0x24: {  	s20 =	sshra.s32 s18, $0x2  }
0x25: {  	[sflag:s12] =	ssyncadd.s32 $0xFFFFD800;
	s18 =	smov.u32 s19;
	s21 =	sadd.s32 $0x200, s19  }
0x26: {  	[tilespmem:s15], [sflag:$0x1] =	stream.indirect.gather [hbm4b:s1+s14], $0x80, s20, s14, $0xb8;
	[tilespmem:$0x1E400] =	vst v63  }
0x27: {  	p0 =	sne.s32 s19, $0xF800;
	_ =	swait.ge [sflag:s16], $0x2800  }
.Ltmp0:
0x28: {  	[sflag:s16] =	ssyncset.done $0x0;
	(pc) =	sbr.rel @p0 .LBB2_2-.Ltmp0, $4  }
0x29: {  	s19 =	sadd.s32 $0x4000, s20;
	[sflag:s16] =	ssyncadd.s32 $0xFFFFD800  }
0x2a: {  	[spmem:s2] =	stream.indirect.scatter.add.f32 [tilespmem:s15], [sflag:$0x2], $0x80, s19, s14, $0xb8;
	[tilespmem:$0x1E400] =	vst v63  }
0x2b: {  	_ =	swait.ge [sflag:s12], $0x2800  }
0x2c: {  	s19 =	smov.u32 s21;
	[sflag:s12] =	ssyncset.done $0x0  }
0x2d: {  	s18 =	sshra.s32 s18, $0x2;
	[sflag:s12] =	ssyncadd.s32 $0xFFFFD800  }
0x2e: {  	[tilespmem:s15], [sflag:$0x1] =	stream.indirect.gather [hbm4b:s1+s14], $0x80, s18, s14, $0xb8;
	[tilespmem:$0x1E400] =	vst v63  }
0x2f: {  	_ =	swait.ge [sflag:s16], $0x2800  }
0x30: {  	[sflag:s16] =	ssyncset.done $0x0  }
0x31: {  	s18 =	sadd.s32 $0x4000, s18;
	[sflag:s16] =	ssyncadd.s32 $0xFFFFD800  }
0x32: {  	[spmem:s2] =	stream.indirect.scatter.add.f32 [tilespmem:s15], [sflag:$0x2], $0x80, s18, s14, $0xb8;
	[tilespmem:$0x1E400] =	vst v63  }
0x33: {  	_ =	swait.ge [sflag:s12], $0x2800  }
0x34: {  	s17 =	sadd.s32 $0x1, s17;
	[sflag:s12] =	ssyncset.done $0x0  }
0x35: {  	p0 =	sne.s32 s17, s10;
	[sflag:s12] =	ssyncadd.s32 $0xFFFFD800  }
.Ltmp1:
0x36: {  	[bflag:$0x0] =	sbarrier.arrive $0xFFFF;
	(pc) =	sbr.rel @p0 .LBB2_1-.Ltmp1, $4  }
0x37: {  	[hbm:s9], [sflag:s6] =	dma.local [spmem:s11], $0x2780  }
0x38: {  	_ =	swait.ge [sflag:s12], $0x2780  }
0x39: {  	[sflag:s12] =	ssyncset.done $0x0  }
0x3a: {  	[sflag:s12] =	ssyncadd.s32 $0xFFFFD880  }
0x3b: {  	_ =	sfence.sel $0x180000  }
0x3c: {  	[bflag:$0x0] =	sbarrier.arrive $0xFFFF  }
0x3d: {  	p0 =	sne.s32 s3, $0x0;
	_ =	strace $0x9000004D  }
0x3e: {  	s0 =	sadd.s32 @!p0 $0x100000, s0;
	[bflag:$0x2] =	sbarrier.arrive $0xFFFF  }
0x3f: {  	[sflag:s0] =	ssyncadd.tile.s32 @!p0 $0x1;
	_ =	shalt  }
.Lfunc_end2:
_tile_overlayer_lowered:
.L_overlay_start_2:
0x40: {  	(tag) =	ssettag $0x2  }
0x41: {  	s0 =	rddreg [dreg:$0x0];
	s2 =	stileid.u32  }
0x42: {  	s1 =	rddreg [dreg:$0x1];
	p0 =	sne.s32 s2, $0x0  }
0x43: {  	s3 =	rddreg [dreg:$0x2];
	[bflag:$0x3] =	sbarrier.arrive $0xFFFF;
	s2 =	simm.s32 @!p0 $0x1C02  }
0x44: {  	[timem:s3], [sflag:s2] =	dma.local @!p0 [hbm:s0], s1  }
0x45: {  	s0 =	simm.s32 @!p0 $0x2  }
0x46: {  	_ =	swait.ge @!p0 [sflag:s0], s1  }
0x47: {  	s1 =	ssub.s32 @!p0 $0x0, s1;
	[sflag:s0] =	ssyncset.done @!p0 $0x0  }
0x48: {  	[sflag:s0] =	ssyncadd.s32 @!p0 s1  }
0x49: {  	[bflag:$0x3] =	sbarrier.arrive $0xFFFF  }
0x4a: {  	_ =	shalt  }

// kernel: kernel.18.cloned.1.call-start
scs
__scs_entry_jumppad:
0x0: {  	(pc) =	sbr.rel $0x88, $3  }
0x1: {  	(tag) =	ssettag $0x0;
	lr =	simm.s32 $0x1  }
0x2: {  	[smem:$0x3F99] =	sst lr;
	_ =	strace $0xD0000000  }
0x3: {  	_ = 	snop  }
0x4: {  	_ = 	snop  }
0x5: {  	_ = 	snop  }
0x6: {  	_ = 	snop  }
0x7: {  	_ = 	snop  }
__scs_overlays_trampoline_lowered:
0x8: {  	[smem:$0x3FA8] =	sst s0  }
0x9: {  	[smem:$0x3FA9] =	sst s1  }
0xa: {  	[smem:$0x3FAA] =	sst s2  }
0xb: {  	[smem:$0x3FAB] =	sst s3  }
0xc: {  	[smem:$0x3FAC] =	sst s4  }
0xd: {  	[smem:$0x3FAD] =	sst s5  }
0xe: {  	[smem:$0x3FAE] =	sst s6  }
0xf: {  	[smem:$0x3FAF] =	sst s7  }
0x10: {  	[smem:$0x3FB0] =	sst s8  }
0x11: {  	[smem:$0x3FB1] =	sst s9;
	s0 =	simm.s32 @!p0 $0x0  }
0x12: {  	s1 =	sld [smem:$0x3F97];
	s0 =	simm.s32 @p0 $0x1  }
0x13: {  	[smem:$0x3FB2] =	sst s0;
	s0 =	simm.s32 @!p1 $0x0  }
0x14: {  	s2 =	sld [smem:$0x3F96];
	s0 =	simm.s32 @p1 $0x1  }
0x15: {  	[smem:$0x3FB3] =	sst s0;
	s0 =	simm.s32 @!p2 $0x0  }
0x16: {  	s3 =	sld [smem:$0x3FDB];
	s0 =	simm.s32 @p2 $0x1  }
0x17: {  	s4 =	simm.s32 $0x1BF5;
	[smem:$0x3FB5] =	sst s0  }
0x18: {  	s0 =	sld [smem:$0x3F98];
	_ =	swait.ge [sflag:s4], $0x0  }
0x19: {  	s7 =	sld [smem:$0x3F99]  }
0x1a: {  	s8 =	sadd.s32 $0xFFFFE003, lr  }
0x1b: {  	s9 =	sadd.s32 $0xFFFFFEF7, lr;
	s5 =	simm.s32 $0xFFFFFFFF;
	p2 =	slt.u32 s8, $0xFFFFF086  }
0x1c: {  	p1 =	slt.u32 s9, $0xF7A;
	s5 =	simm.s32 @!p2 $0x0  }
0x1d: {  	s5 =	simm.s32 @p1 $0x1;
	p0 =	seq.s32 s7, s2  }
0x1e: {  	s7 =	smul.u32 @!p0 $0xF7A, s2;
	p2 =	seq.s32 @!p0 s5, $0x0  }
0x1f: {  	s9 =	smul.u32 $0xF7A, s1;
	s8 =	simm.s32 @!p0 $0x1BF5;
	p2 =	por !p2, p0  }
0x20: {  	[sflag:s8] =	ssyncset.s32 @!p0 $0xFFFFF086;
	s6 =	sadd.s32 @!p0 s3, s7;
	s7 =	simm.s32 @!p0 $0x108  }
0x21: {  	s3 =	sadd.s32 s3, s9;
	s6 =	sadd.s32 @!p0 $0x88, s6;
	s7 =	simm.s32 @p2 $0x1082  }
0x22: {  	[simem:s7], [sflag:s8] =	dma.local @!p0 [hbm:s6], $0xF7A  }
0x23: {  	s9 =	sor.u32 $0xD0000000, s2;
	s6 =	simm.s32 $0x108;
	_ =	swait.ge @!p0 [sflag:s8], $0x0  }
0x24: {  	s3 =	sadd.s32 $0x88, s3;
	s6 =	simm.s32 @!p1 $0x1082;
	[sflag:s4] =	ssyncset.s32 $0xFFFFF086  }
0x25: {  	[simem:s6], [sflag:s4] =	dma.local [hbm:s3], $0xF7A  }
0x26: {  	[smem:$0x3F99] =	sst s1;
	(tag) =	ssettag s2;
	_ =	strace s9  }
0x27: {  	s1 =	sld [smem:$0x3FA9]  }
0x28: {  	s2 =	sld [smem:$0x3FAA]  }
0x29: {  	s4 =	sld [smem:$0x3FAC]  }
0x2a: {  	p0 =	seq.s32 s5, $0x0;
	s5 =	sld [smem:$0x3FAD]  }
0x2b: {  	s6 =	sld [smem:$0x3FAE]  }
0x2c: {  	s7 =	sld [smem:$0x3FAF]  }
0x2d: {  	s3 =	simm.s32 $0x108;
	s8 =	sld [smem:$0x3FB0]  }
0x2e: {  	s3 =	simm.s32 @!p0 $0x1082;
	s9 =	sld [smem:$0x3FB1]  }
0x2f: {  	lr =	sadd.s32 s0, s3;
	s0 =	sld [smem:$0x3FA8]  }
0x30: {  	s3 =	sld [smem:$0x3FAB]  }
0x31: {  	[smem:$0x3FB4] =	sst s10  }
0x32: {  	s10 =	sld [smem:$0x3FB2];
	_ =	sdelay $0x3  }
0x33: {  	p0 =	seq.s32 s10, $0x1;
	s10 =	sld [smem:$0x3FB4];
	_ =	sdelay $0x3  }
0x34: {  	[smem:$0x3FB4] =	sst s10  }
0x35: {  	s10 =	sld [smem:$0x3FB3];
	_ =	sdelay $0x3  }
0x36: {  	p1 =	seq.s32 s10, $0x1;
	s10 =	sld [smem:$0x3FB4];
	_ =	sdelay $0x3  }
0x37: {  	[smem:$0x3FB4] =	sst s10  }
0x38: {  	s10 =	sld [smem:$0x3FB5]  }
0x39: {  	_ = 	snop;
	(pc) =	sbr.ind lr, $3  }
0x3a: {  	_ = 	snop  }
0x3b: {  	_ = 	snop  }
0x3c: {  	p2 =	seq.s32 s10, $0x1;
	s10 =	sld [smem:$0x3FB4]  }
0x3d: {  	_ =	shalt  }
0x3e: {  	_ =	shalt  }
0x3f: {  	_ =	shalt  }
0x40: {  	_ =	shalt  }
0x41: {  	_ =	shalt  }
0x42: {  	_ =	shalt  }
0x43: {  	_ =	shalt  }
0x44: {  	_ =	shalt  }
0x45: {  	_ =	shalt  }
0x46: {  	_ =	shalt  }
0x47: {  	_ =	shalt  }
0x48: {  	_ =	shalt  }
0x49: {  	_ =	shalt  }
0x4a: {  	_ =	shalt  }
0x4b: {  	_ =	shalt  }
0x4c: {  	_ =	shalt  }
0x4d: {  	_ =	shalt  }
0x4e: {  	_ =	shalt  }
0x4f: {  	_ =	shalt  }
0x50: {  	_ =	shalt  }
0x51: {  	_ =	shalt  }
0x52: {  	_ =	shalt  }
0x53: {  	_ =	shalt  }
0x54: {  	_ =	shalt  }
0x55: {  	_ =	shalt  }
0x56: {  	_ =	shalt  }
0x57: {  	_ =	shalt  }
0x58: {  	_ =	shalt  }
0x59: {  	_ =	shalt  }
0x5a: {  	_ =	shalt  }
0x5b: {  	_ =	shalt  }
0x5c: {  	_ =	shalt  }
0x5d: {  	_ =	shalt  }
0x5e: {  	_ =	shalt  }
0x5f: {  	_ =	shalt  }
0x60: {  	_ =	shalt  }
0x61: {  	_ =	shalt  }
0x62: {  	_ =	shalt  }
0x63: {  	_ =	shalt  }
0x64: {  	_ =	shalt  }
0x65: {  	_ =	shalt  }
0x66: {  	_ =	shalt  }
0x67: {  	_ =	shalt  }
0x68: {  	_ =	shalt  }
0x69: {  	_ =	shalt  }
0x6a: {  	_ =	shalt  }
0x6b: {  	_ =	shalt  }
0x6c: {  	_ =	shalt  }
0x6d: {  	_ =	shalt  }
0x6e: {  	_ =	shalt  }
0x6f: {  	_ =	shalt  }
0x70: {  	_ =	shalt  }
0x71: {  	_ =	shalt  }
0x72: {  	_ =	shalt  }
0x73: {  	_ =	shalt  }
0x74: {  	_ =	shalt  }
0x75: {  	_ =	shalt  }
0x76: {  	_ =	shalt  }
0x77: {  	_ =	shalt  }
0x78: {  	_ =	shalt  }
0x79: {  	_ =	shalt  }
0x7a: {  	_ =	shalt  }
0x7b: {  	_ =	shalt  }
0x7c: {  	_ =	shalt  }
0x7d: {  	_ =	shalt  }
0x7e: {  	_ =	shalt  }
0x7f: {  	_ =	shalt  }
0x80: {  	_ =	shalt  }
0x81: {  	_ =	shalt  }
0x82: {  	_ =	shalt  }
0x83: {  	_ =	shalt  }
0x84: {  	_ =	shalt  }
0x85: {  	_ =	shalt  }
0x86: {  	_ =	shalt  }
0x87: {  	_ =	shalt  }
.Lfunc_end0:
.L_simem_size_0:
called_computation.3_lowered:
.L_overlay_start_0:
0x88: {  	s2 =	sld [smem:$0x3FD9]  }
0x89: {  	s3 =	sld [smem:$0x3FFE];
	_ =	sdelay $0x1  }
0x8a: {  	s1 =	srdreg.scid  }
0x8b: {  	s0 =	sand.u32 $0x1, s1  }
0x8c: {  	s17 =	sshll.u32 s0, $0xA;
	s2 =	sadd.s32 s3, s2  }
0x8d: {  	s2 =	sadd.s32 s2, s17  }
0x8e: {  	[smem:$0x3FC0] =	sst s2  }
0x8f: {  	_ = 	snop  }
0x90: {  	s2 =	sld [smem:$0x3FD0];
	(tm) =	ssettm $0x1  }
0x91: {  	s18 =	sld [smem:$0x3FFB];
	_ =	sdelay $0x3  }
0x92: {  	_ =	strace s18  }
0x93: {  	s3 =	sld [smem:$0x3FFC];
	_ =	sdelay $0x3  }
0x94: {  	_ =	strace s3  }
0x95: {  	s3 =	sld [smem:$0x3FFD];
	_ =	sdelay $0x3  }
0x96: {  	_ =	strace s3  }
0x97: {  	_ =	strace $0x8FFFFFFF  }
0x98: {  	s19 =	sld [smem:$0x3FDB];
	_ =	sdelay $0x1  }
0x99: {  	s4 =	simm.s32 $_scs_section_size  }
0x9a: {  	s5 =	simm.s32 $_size__tile_overlayer_lowered;
	s6 =	simm.s32 $_tile_overlayer_lowered  }
0x9b: {  	s22 =	simm.s32 $0x1BFF;
	s21 =	sshll.u32 s6, $0x1;
	s3 =	sadd.s32 s4, s19  }
0x9c: {  	s7 =	simm.s32 $0x0;
	s20 =	sshll.u32 s5, $0x1;
	s5 =	sadd.s32 s21, s3  }
0x9d: {  	[timem:s7], [sflag:s22] =	dma.local [hbm:s5], s20  }
0x9e: {  	_ =	swait.ge [sflag:s22], s20  }
0x9f: {  	s4 =	ssub.s32 $0x0, s20;
	[sflag:s22] =	ssyncset.done $0x0  }
0xa0: {  	[sflag:s22] =	ssyncadd.s32 s4;
	_ =	sdelay $0x1  }
0xa1: {  	s23 =	simm.s32 $0x1B8B  }
0xa2: {  	_ =	swait.ge [sflag:s23], $0x1  }
0xa3: {  	[sflag:s23] =	ssyncset.done $0x0  }
0xa4: {  	s25 =	simm.s32 $0x1B8E;
	s24 =	sld [smem:$0x3FFE];
	[sflag:s23] =	ssyncadd.s32 $0xFFFFFFFF  }
0xa5: {  	s26 =	simm.s32 $execute0_lowered;
	[smem:$0x3FD2] =	sst s25  }
0xa6: {  	s5 =	sshll.u32 s26, $0x1;
	_ =	strace $0x8000004F;
	[dreg:$0x1] =	wrdreg $0xFFFFFFFF  }
0xa7: {  	s28 =	simm.s32 $_size_execute0_lowered;
	s3 =	sadd.s32 s3, s5;
	[dreg:$0x0] =	wrdreg $0x0  }
0xa8: {  	s5 =	sshll.u32 s28, $0x1;
	[dreg:$0x2] =	wrdreg s3  }
0xa9: {  	[dreg:$0x3] =	wrdreg s5  }
0xaa: {  	[dreg:$0x4] =	wrdreg $0xC0  }
0xab: {  	_ =	task [dreg:s7], $0x5FFFF  }
0xac: {  	[dreg:$0x1] =	wrdreg $0xFFFFFFFF  }
0xad: {  	[dreg:$0x0] =	wrdreg $0x60  }
0xae: {  	[dreg:$0x2] =	wrdreg s24  }
0xaf: {  	[dreg:$0x3] =	wrdreg s2  }
0xb0: {  	[dreg:$0x4] =	wrdreg $0xA8000  }
0xb1: {  	[dreg:$0x5] =	wrdreg $0x9  }
0xb2: {  	_ =	task.clear_ibuf [dreg:s7], $0x6FFFF;
	_ =	strace $0x9000004F  }
0xb3: {  	s29 =	simm.s32 $0x9;
	_ =	strace $0x80000051  }
0xb4: {  	_ =	swait.ge [sflag:s29], $0x1  }
0xb5: {  	[sflag:s29] =	ssyncadd.s32 $0xFFFFFFFF  }
0xb6: {  	_ =	strace $0x90000051  }
0xb7: {  	_ =	sfence  }
0xb8: {  	s30 =	sld [smem:$0x0];
	_ =	sdelay $0x2  }
0xb9: {  	s31 =	sshll.u32 s1, $0xD;
	s1 =	sshrl.u32 s1, $0x2  }
0xba: {  	s3 =	sand.u32 $0x4000, s31;
	s1 =	sadd.s32 s1, s30  }
0xbb: {  	s0 =	sor.u32 s3, s0;
	s1 =	sshll.u32 s1, $0x11  }
0xbc: {  	s0 =	sor.u32 s1, s0  }
0xbd: {  	s0 =	sadd.s32 $0x8F2B, s0  }
0xbe: {  	[sflag:s0] =	ssyncadd.remote.s32 $0x1  }
0xbf: {  	_ =	sfence.sel $0xFFFF  }
0xc0: {  	[dreg:$0x0] =	wrdreg $0xFFFFFFFF;
	(pc) =	sbr.abs _section_cstart, $3  }
0xc1: {  	[dreg:$0x1] =	wrdreg $0xFFFFFFFF  }
0xc2: {  	_ =	task.clear_ibuf [dreg:s7], $0x2FFFF;
	_ =	strace $0x9FFFFFFF  }
0xc3: {  	(tm) =	ssettm $0x7FFFFFFF  }
tec
execute0_lowered:
.L_overlay_start_1:
0x0: {  	(tag) =	ssettag $0x1  }
0x1: {  	s6 =	rddreg [dreg:$0x0]  }
0x2: {  	s1 =	rddreg [dreg:$0x1]  }
0x3: {  	s2 =	rddreg [dreg:$0x2]  }
0x4: {  	s0 =	rddreg [dreg:$0x3];
	s4 =	simm.s32 $0x0;
	s3 =	srdreg.scid  }
0x5: {  	s13 =	simm.s32 $0x4000;
	s14 =	simm.s32 $0x50;
	s15 =	simm.s32 $0x8000  }
0x6: {  	s16 =	simm.s32 $0x1;
	[smem:$0x7FF] =	sst s4;
	s7 =	sand.u32 $0x1, s3  }
0x7: {  	s17 =	simm.s32 $0x0;
	s3 =	stileid.u32;
	s5 =	smul.u32 $0x13C000, s7  }
0x8: {  	s8 =	sshll.u32 s3, $0xC;
	s9 =	sshll.u32 s7, $0xB;
	s10 =	smul.u32 $0x13C00, s3  }
0x9: {  	_ =	strace $0x80000050;
	s29 =	smul.u32 $0x4F000, s3;
	s7 =	ssub.s32 $0x2, s7  }
0xa: {  	s31 =	sshll.u32 s3, $0x6;
	s8 =	sor.u32 s9, s8;
	s30 =	sshrl.u32 s7, $0x1  }
0xb: {  	s8 =	sadd.s32 s8, s6;
	s28 =	sadd.s32 s10, s5;
	s5 =	sadd.s32 $0x22C00, s6  }
0xc: {  	s10 =	sshrl.u32 s29, $0x2;
	s11 =	ssub.s32 s7, s30;
	s9 =	sshrl.u32 s28, $0x3  }
0xd: {  	s12 =	sadd.s32 s10, s2;
	s7 =	sadd.s32 $0x12C00, s8;
	s8 =	sadd.s32 $0x2C00, s8  }
0xe: {  	s10 =	smax.u32 s11, $0x1;
	s9 =	sadd.s32 s9, s6;
	s6 =	sor.u32 $0x1C02, s31  }
0xf: {  	s11 =	sshrl.u32 s12, $0x3;
	s12 =	simm.s32 $0x2;
	s9 =	sadd.s32 $0x25400, s9  }
.LBB2_1:
0x10: {  	[spmem:s11], [sflag:s6] =	dma.local [hbm:s5], $0x2780  }
0x11: {  	_ =	swait.ge [sflag:s12], $0x2780  }
0x12: {  	[sflag:s12] =	ssyncset.done $0x0  }
0x13: {  	[sflag:s12] =	ssyncadd.s32 $0xFFFFD880  }
0x14: {  	[tilespmem:s4], [sflag:$0x2] =	stream.linear.gather [hbm4b:s7+s4], $0x3E80, $0x38;
	[tilespmem:$0x1E400] =	vst v63  }
0x15: {  	_ =	swait.ge [sflag:s12], $0x3E80  }
0x16: {  	[sflag:s12] =	ssyncset.done $0x0  }
0x17: {  	[sflag:s12] =	ssyncadd.s32 $0xFFFFC180  }
0x18: {  	[tilespmem:s13], [sflag:$0x2] =	stream.linear.gather [hbm4b:s8+s4], $0x3E80, $0x38;
	[tilespmem:$0x1E400] =	vst v63  }
0x19: {  	_ =	swait.ge [sflag:s12], $0x3E80  }
0x1a: {  	[sflag:s12] =	ssyncset.done $0x0  }
0x1b: {  	[sflag:s12] =	ssyncadd.s32 $0xFFFFC180  }
0x1c: {  	s18 =	simm.s32 $0x0;
	[bflag:$0x0] =	sbarrier.arrive $0xFFFF  }
0x1d: {  	[tilespmem:s15], [sflag:$0x1] =	stream.indirect.gather [hbm4b:s1+s14], $0x80, s18, s14, $0xb8;
	[tilespmem:$0x1E400] =	vst v63  }
0x1e: {  	_ =	swait.ge [sflag:s16], $0x2800  }
0x1f: {  	[sflag:s16] =	ssyncset.done $0x0  }
0x20: {  	s31 =	simm.s32 $0x4000;
	[sflag:s16] =	ssyncadd.s32 $0xFFFFD800  }
0x21: {  	[spmem:s2] =	stream.indirect.scatter.add.f32 [tilespmem:s15], [sflag:$0x2], $0x80, s31, s14, $0xb8;
	[tilespmem:$0x1E400] =	vst v63  }
0x22: {  	_ =	swait.ge [sflag:s12], $0x2800  }
0x23: {  	s19 =	simm.s32 $0x400;
	s18 =	simm.s32 $0x200;
	[sflag:s12] =	ssyncset.done $0x0  }
.LBB2_2:
0x24: {  	s20 =	sshra.s32 s18, $0x2  }
0x25: {  	[sflag:s12] =	ssyncadd.s32 $0xFFFFD800;
	s18 =	smov.u32 s19;
	s21 =	sadd.s32 $0x200, s19  }
0x26: {  	[tilespmem:s15], [sflag:$0x1] =	stream.indirect.gather [hbm4b:s1+s14], $0x80, s20, s14, $0xb8;
	[tilespmem:$0x1E400] =	vst v63  }
0x27: {  	p0 =	sne.s32 s19, $0xF800;
	_ =	swait.ge [sflag:s16], $0x2800  }
.Ltmp0:
0x28: {  	[sflag:s16] =	ssyncset.done $0x0;
	(pc) =	sbr.rel @p0 .LBB2_2-.Ltmp0, $4  }
0x29: {  	s19 =	sadd.s32 $0x4000, s20;
	[sflag:s16] =	ssyncadd.s32 $0xFFFFD800  }
0x2a: {  	[spmem:s2] =	stream.indirect.scatter.add.f32 [tilespmem:s15], [sflag:$0x2], $0x80, s19, s14, $0xb8;
	[tilespmem:$0x1E400] =	vst v63  }
0x2b: {  	_ =	swait.ge [sflag:s12], $0x2800  }
0x2c: {  	s19 =	smov.u32 s21;
	[sflag:s12] =	ssyncset.done $0x0  }
0x2d: {  	s18 =	sshra.s32 s18, $0x2;
	[sflag:s12] =	ssyncadd.s32 $0xFFFFD800  }
0x2e: {  	[tilespmem:s15], [sflag:$0x1] =	stream.indirect.gather [hbm4b:s1+s14], $0x80, s18, s14, $0xb8;
	[tilespmem:$0x1E400] =	vst v63  }
0x2f: {  	_ =	swait.ge [sflag:s16], $0x2800  }
0x30: {  	[sflag:s16] =	ssyncset.done $0x0  }
0x31: {  	s18 =	sadd.s32 $0x4000, s18;
	[sflag:s16] =	ssyncadd.s32 $0xFFFFD800  }
0x32: {  	[spmem:s2] =	stream.indirect.scatter.add.f32 [tilespmem:s15], [sflag:$0x2], $0x80, s18, s14, $0xb8;
	[tilespmem:$0x1E400] =	vst v63  }
0x33: {  	_ =	swait.ge [sflag:s12], $0x2800  }
0x34: {  	s17 =	sadd.s32 $0x1, s17;
	[sflag:s12] =	ssyncset.done $0x0  }
0x35: {  	p0 =	sne.s32 s17, s10;
	[sflag:s12] =	ssyncadd.s32 $0xFFFFD800  }
.Ltmp1:
0x36: {  	[bflag:$0x0] =	sbarrier.arrive $0xFFFF;
	(pc) =	sbr.rel @p0 .LBB2_1-.Ltmp1, $4  }
0x37: {  	[hbm:s9], [sflag:s6] =	dma.local [spmem:s11], $0x2780  }
0x38: {  	_ =	swait.ge [sflag:s12], $0x2780  }
0x39: {  	[sflag:s12] =	ssyncset.done $0x0  }
0x3a: {  	[sflag:s12] =	ssyncadd.s32 $0xFFFFD880  }
0x3b: {  	_ =	sfence.sel $0x180000  }
0x3c: {  	[bflag:$0x0] =	sbarrier.arrive $0xFFFF  }
0x3d: {  	p0 =	sne.s32 s3, $0x0;
	_ =	strace $0x90000050  }
0x3e: {  	s0 =	sadd.s32 @!p0 $0x100000, s0;
	[bflag:$0x2] =	sbarrier.arrive $0xFFFF  }
0x3f: {  	[sflag:s0] =	ssyncadd.tile.s32 @!p0 $0x1;
	_ =	shalt  }
.Lfunc_end2:
_tile_overlayer_lowered:
.L_overlay_start_2:
0x40: {  	(tag) =	ssettag $0x2  }
0x41: {  	s0 =	rddreg [dreg:$0x0];
	s2 =	stileid.u32  }
0x42: {  	s1 =	rddreg [dreg:$0x1];
	p0 =	sne.s32 s2, $0x0  }
0x43: {  	s3 =	rddreg [dreg:$0x2];
	[bflag:$0x3] =	sbarrier.arrive $0xFFFF;
	s2 =	simm.s32 @!p0 $0x1C02  }
0x44: {  	[timem:s3], [sflag:s2] =	dma.local @!p0 [hbm:s0], s1  }
0x45: {  	s0 =	simm.s32 @!p0 $0x2  }
0x46: {  	_ =	swait.ge @!p0 [sflag:s0], s1  }
0x47: {  	s1 =	ssub.s32 @!p0 $0x0, s1;
	[sflag:s0] =	ssyncset.done @!p0 $0x0  }
0x48: {  	[sflag:s0] =	ssyncadd.s32 @!p0 s1  }
0x49: {  	[bflag:$0x3] =	sbarrier.arrive $0xFFFF  }
0x4a: {  	_ =	shalt  }

// kernel: kernel.9.cloned.1.call-start
scs
__scs_entry_jumppad:
0x0: {  	(pc) =	sbr.rel $0x88, $3  }
0x1: {  	(tag) =	ssettag $0x0;
	lr =	simm.s32 $0x1  }
0x2: {  	[smem:$0x3F99] =	sst lr;
	_ =	strace $0xD0000000  }
0x3: {  	_ = 	snop  }
0x4: {  	_ = 	snop  }
0x5: {  	_ = 	snop  }
0x6: {  	_ = 	snop  }
0x7: {  	_ = 	snop  }
__scs_overlays_trampoline_lowered:
0x8: {  	[smem:$0x3FA8] =	sst s0  }
0x9: {  	[smem:$0x3FA9] =	sst s1  }
0xa: {  	[smem:$0x3FAA] =	sst s2  }
0xb: {  	[smem:$0x3FAB] =	sst s3  }
0xc: {  	[smem:$0x3FAC] =	sst s4  }
0xd: {  	[smem:$0x3FAD] =	sst s5  }
0xe: {  	[smem:$0x3FAE] =	sst s6  }
0xf: {  	[smem:$0x3FAF] =	sst s7  }
0x10: {  	[smem:$0x3FB0] =	sst s8  }
0x11: {  	[smem:$0x3FB1] =	sst s9;
	s0 =	simm.s32 @!p0 $0x0  }
0x12: {  	s1 =	sld [smem:$0x3F97];
	s0 =	simm.s32 @p0 $0x1  }
0x13: {  	[smem:$0x3FB2] =	sst s0;
	s0 =	simm.s32 @!p1 $0x0  }
0x14: {  	s2 =	sld [smem:$0x3F96];
	s0 =	simm.s32 @p1 $0x1  }
0x15: {  	[smem:$0x3FB3] =	sst s0;
	s0 =	simm.s32 @!p2 $0x0  }
0x16: {  	s3 =	sld [smem:$0x3FDB];
	s0 =	simm.s32 @p2 $0x1  }
0x17: {  	s4 =	simm.s32 $0x1BF5;
	[smem:$0x3FB5] =	sst s0  }
0x18: {  	s0 =	sld [smem:$0x3F98];
	_ =	swait.ge [sflag:s4], $0x0  }
0x19: {  	s7 =	sld [smem:$0x3F99]  }
0x1a: {  	s8 =	sadd.s32 $0xFFFFE003, lr  }
0x1b: {  	s9 =	sadd.s32 $0xFFFFFEF7, lr;
	s5 =	simm.s32 $0xFFFFFFFF;
	p2 =	slt.u32 s8, $0xFFFFF086  }
0x1c: {  	p1 =	slt.u32 s9, $0xF7A;
	s5 =	simm.s32 @!p2 $0x0  }
0x1d: {  	s5 =	simm.s32 @p1 $0x1;
	p0 =	seq.s32 s7, s2  }
0x1e: {  	s7 =	smul.u32 @!p0 $0xF7A, s2;
	p2 =	seq.s32 @!p0 s5, $0x0  }
0x1f: {  	s9 =	smul.u32 $0xF7A, s1;
	s8 =	simm.s32 @!p0 $0x1BF5;
	p2 =	por !p2, p0  }
0x20: {  	[sflag:s8] =	ssyncset.s32 @!p0 $0xFFFFF086;
	s6 =	sadd.s32 @!p0 s3, s7;
	s7 =	simm.s32 @!p0 $0x108  }
0x21: {  	s3 =	sadd.s32 s3, s9;
	s6 =	sadd.s32 @!p0 $0x88, s6;
	s7 =	simm.s32 @p2 $0x1082  }
0x22: {  	[simem:s7], [sflag:s8] =	dma.local @!p0 [hbm:s6], $0xF7A  }
0x23: {  	s9 =	sor.u32 $0xD0000000, s2;
	s6 =	simm.s32 $0x108;
	_ =	swait.ge @!p0 [sflag:s8], $0x0  }
0x24: {  	s3 =	sadd.s32 $0x88, s3;
	s6 =	simm.s32 @!p1 $0x1082;
	[sflag:s4] =	ssyncset.s32 $0xFFFFF086  }
0x25: {  	[simem:s6], [sflag:s4] =	dma.local [hbm:s3], $0xF7A  }
0x26: {  	[smem:$0x3F99] =	sst s1;
	(tag) =	ssettag s2;
	_ =	strace s9  }
0x27: {  	s1 =	sld [smem:$0x3FA9]  }
0x28: {  	s2 =	sld [smem:$0x3FAA]  }
0x29: {  	s4 =	sld [smem:$0x3FAC]  }
0x2a: {  	p0 =	seq.s32 s5, $0x0;
	s5 =	sld [smem:$0x3FAD]  }
0x2b: {  	s6 =	sld [smem:$0x3FAE]  }
0x2c: {  	s7 =	sld [smem:$0x3FAF]  }
0x2d: {  	s3 =	simm.s32 $0x108;
	s8 =	sld [smem:$0x3FB0]  }
0x2e: {  	s3 =	simm.s32 @!p0 $0x1082;
	s9 =	sld [smem:$0x3FB1]  }
0x2f: {  	lr =	sadd.s32 s0, s3;
	s0 =	sld [smem:$0x3FA8]  }
0x30: {  	s3 =	sld [smem:$0x3FAB]  }
0x31: {  	[smem:$0x3FB4] =	sst s10  }
0x32: {  	s10 =	sld [smem:$0x3FB2];
	_ =	sdelay $0x3  }
0x33: {  	p0 =	seq.s32 s10, $0x1;
	s10 =	sld [smem:$0x3FB4];
	_ =	sdelay $0x3  }
0x34: {  	[smem:$0x3FB4] =	sst s10  }
0x35: {  	s10 =	sld [smem:$0x3FB3];
	_ =	sdelay $0x3  }
0x36: {  	p1 =	seq.s32 s10, $0x1;
	s10 =	sld [smem:$0x3FB4];
	_ =	sdelay $0x3  }
0x37: {  	[smem:$0x3FB4] =	sst s10  }
0x38: {  	s10 =	sld [smem:$0x3FB5]  }
0x39: {  	_ = 	snop;
	(pc) =	sbr.ind lr, $3  }
0x3a: {  	_ = 	snop  }
0x3b: {  	_ = 	snop  }
0x3c: {  	p2 =	seq.s32 s10, $0x1;
	s10 =	sld [smem:$0x3FB4]  }
0x3d: {  	_ =	shalt  }
0x3e: {  	_ =	shalt  }
0x3f: {  	_ =	shalt  }
0x40: {  	_ =	shalt  }
0x41: {  	_ =	shalt  }
0x42: {  	_ =	shalt  }
0x43: {  	_ =	shalt  }
0x44: {  	_ =	shalt  }
0x45: {  	_ =	shalt  }
0x46: {  	_ =	shalt  }
0x47: {  	_ =	shalt  }
0x48: {  	_ =	shalt  }
0x49: {  	_ =	shalt  }
0x4a: {  	_ =	shalt  }
0x4b: {  	_ =	shalt  }
0x4c: {  	_ =	shalt  }
0x4d: {  	_ =	shalt  }
0x4e: {  	_ =	shalt  }
0x4f: {  	_ =	shalt  }
0x50: {  	_ =	shalt  }
0x51: {  	_ =	shalt  }
0x52: {  	_ =	shalt  }
0x53: {  	_ =	shalt  }
0x54: {  	_ =	shalt  }
0x55: {  	_ =	shalt  }
0x56: {  	_ =	shalt  }
0x57: {  	_ =	shalt  }
0x58: {  	_ =	shalt  }
0x59: {  	_ =	shalt  }
0x5a: {  	_ =	shalt  }
0x5b: {  	_ =	shalt  }
0x5c: {  	_ =	shalt  }
0x5d: {  	_ =	shalt  }
0x5e: {  	_ =	shalt  }
0x5f: {  	_ =	shalt  }
0x60: {  	_ =	shalt  }
0x61: {  	_ =	shalt  }
0x62: {  	_ =	shalt  }
0x63: {  	_ =	shalt  }
0x64: {  	_ =	shalt  }
0x65: {  	_ =	shalt  }
0x66: {  	_ =	shalt  }
0x67: {  	_ =	shalt  }
0x68: {  	_ =	shalt  }
0x69: {  	_ =	shalt  }
0x6a: {  	_ =	shalt  }
0x6b: {  	_ =	shalt  }
0x6c: {  	_ =	shalt  }
0x6d: {  	_ =	shalt  }
0x6e: {  	_ =	shalt  }
0x6f: {  	_ =	shalt  }
0x70: {  	_ =	shalt  }
0x71: {  	_ =	shalt  }
0x72: {  	_ =	shalt  }
0x73: {  	_ =	shalt  }
0x74: {  	_ =	shalt  }
0x75: {  	_ =	shalt  }
0x76: {  	_ =	shalt  }
0x77: {  	_ =	shalt  }
0x78: {  	_ =	shalt  }
0x79: {  	_ =	shalt  }
0x7a: {  	_ =	shalt  }
0x7b: {  	_ =	shalt  }
0x7c: {  	_ =	shalt  }
0x7d: {  	_ =	shalt  }
0x7e: {  	_ =	shalt  }
0x7f: {  	_ =	shalt  }
0x80: {  	_ =	shalt  }
0x81: {  	_ =	shalt  }
0x82: {  	_ =	shalt  }
0x83: {  	_ =	shalt  }
0x84: {  	_ =	shalt  }
0x85: {  	_ =	shalt  }
0x86: {  	_ =	shalt  }
0x87: {  	_ =	shalt  }
.Lfunc_end0:
.L_simem_size_0:
called_computation_lowered:
.L_overlay_start_0:
0x88: {  	s2 =	sld [smem:$0x3FD9]  }
0x89: {  	s3 =	sld [smem:$0x3FFE];
	_ =	sdelay $0x1  }
0x8a: {  	s1 =	srdreg.scid  }
0x8b: {  	s0 =	sand.u32 $0x1, s1  }
0x8c: {  	s17 =	sshll.u32 s0, $0xA;
	s2 =	sadd.s32 s3, s2  }
0x8d: {  	s2 =	sadd.s32 s2, s17  }
0x8e: {  	[smem:$0x3FC0] =	sst s2  }
0x8f: {  	_ = 	snop  }
0x90: {  	(tm) =	ssettm $0x1  }
0x91: {  	s18 =	sld [smem:$0x3FFB];
	_ =	sdelay $0x3  }
0x92: {  	_ =	strace s18  }
0x93: {  	s2 =	sld [smem:$0x3FFC];
	_ =	sdelay $0x3  }
0x94: {  	_ =	strace s2  }
0x95: {  	s2 =	sld [smem:$0x3FFD];
	_ =	sdelay $0x3  }
0x96: {  	_ =	strace s2  }
0x97: {  	_ =	strace $0x8FFFFFFF  }
0x98: {  	s19 =	sld [smem:$0x3FDB];
	_ =	sdelay $0x1  }
0x99: {  	s20 =	simm.s32 $_scs_section_size  }
0x9a: {  	s4 =	simm.s32 $_size__tile_overlayer_lowered;
	s5 =	simm.s32 $_tile_overlayer_lowered  }
0x9b: {  	s6 =	simm.s32 $0x1BFF;
	s21 =	sshll.u32 s5, $0x1;
	s3 =	sadd.s32 s20, s19  }
0x9c: {  	s22 =	simm.s32 $0x0;
	s4 =	sshll.u32 s4, $0x1;
	s5 =	sadd.s32 s21, s3  }
0x9d: {  	[timem:s22], [sflag:s6] =	dma.local [hbm:s5], s4  }
0x9e: {  	_ =	swait.ge [sflag:s6], s4  }
0x9f: {  	s4 =	ssub.s32 $0x0, s4;
	[sflag:s6] =	ssyncset.done $0x0  }
0xa0: {  	[sflag:s6] =	ssyncadd.s32 s4;
	_ =	sdelay $0x1  }
0xa1: {  	s23 =	simm.s32 $0x1B8B  }
0xa2: {  	_ =	swait.ge [sflag:s23], $0x1  }
0xa3: {  	[sflag:s23] =	ssyncset.done $0x0  }
0xa4: {  	[sflag:s23] =	ssyncadd.s32 $0xFFFFFFFF  }
0xa5: {  	s4 =	sld [smem:$0x0]  }
0xa6: {  	s5 =	sand.u32 $0xFFFFFFFE, s1  }
0xa7: {  	p0 =	sne.s32 s1, s5  }
0xa8: {  	s5 =	sshll.u32 @p0 s5, $0xE  }
0xa9: {  	s5 =	sadd.s32 @p0 $0x11B8D, s5;
	s6 =	sshll.u32 @p0 s4, $0x11  }
0xaa: {  	s5 =	sor.u32 @p0 s6, s5  }
0xab: {  	[sflag:s5] =	ssyncadd.remote.s32 @p0 $0x1;
	_ =	sdelay $0x1  }
0xac: {  	s5 =	simm.s32 @p0 $0x1B8D  }
0xad: {  	_ =	swait.eq @p0 [sflag:s5], $0x1  }
0xae: {  	[sflag:s5] =	ssyncadd.s32 @p0 $0xFFFFFFFF  }
0xaf: {  	s6 =	sshll.u32 @!p0 s1, $0xE  }
0xb0: {  	s6 =	sor.u32 @!p0 $0x4000, s6;
	s5 =	simm.s32 @!p0 $0x1B8D  }
0xb1: {  	s4 =	sshll.u32 @!p0 s4, $0x11;
	s6 =	sadd.s32 @!p0 $0x11B8D, s6;
	_ =	swait.eq @!p0 [sflag:s5], $0x1  }
0xb2: {  	s4 =	sor.u32 @!p0 s4, s6;
	[sflag:s5] =	ssyncadd.s32 @!p0 $0xFFFFFFFF  }
0xb3: {  	s25 =	simm.s32 $0x1B8E;
	s24 =	sld [smem:$0x3FFE];
	[sflag:s4] =	ssyncadd.remote.s32 @!p0 $0x1  }
0xb4: {  	s26 =	simm.s32 $execute0_lowered;
	[smem:$0x3FD2] =	sst s25  }
0xb5: {  	s5 =	sshll.u32 s26, $0x1;
	_ =	strace $0x80000049;
	[dreg:$0x1] =	wrdreg $0xFFFFFFFF  }
0xb6: {  	s28 =	simm.s32 $_size_execute0_lowered;
	s3 =	sadd.s32 s3, s5;
	[dreg:$0x0] =	wrdreg $0x0  }
0xb7: {  	s5 =	sshll.u32 s28, $0x1;
	[dreg:$0x2] =	wrdreg s3  }
0xb8: {  	[dreg:$0x3] =	wrdreg s5  }
0xb9: {  	[dreg:$0x4] =	wrdreg $0xC0  }
0xba: {  	_ =	task [dreg:s22], $0x5FFFF  }
0xbb: {  	[dreg:$0x1] =	wrdreg $0xFFFFFFFF  }
0xbc: {  	[dreg:$0x0] =	wrdreg $0x60  }
0xbd: {  	[dreg:$0x2] =	wrdreg s24  }
0xbe: {  	[dreg:$0x3] =	wrdreg $0x68000  }
0xbf: {  	[dreg:$0x4] =	wrdreg $0x9  }
0xc0: {  	_ =	task.clear_ibuf [dreg:s22], $0x5FFFF;
	_ =	strace $0x90000049  }
0xc1: {  	s29 =	simm.s32 $0x9;
	_ =	strace $0x8000004B  }
0xc2: {  	_ =	swait.ge [sflag:s29], $0x1  }
0xc3: {  	[sflag:s29] =	ssyncadd.s32 $0xFFFFFFFF  }
0xc4: {  	_ =	strace $0x9000004B  }
0xc5: {  	_ =	sfence  }
0xc6: {  	s30 =	sld [smem:$0x0];
	_ =	sdelay $0x2  }
0xc7: {  	s31 =	sshll.u32 s1, $0xD;
	s1 =	sshrl.u32 s1, $0x2  }
0xc8: {  	s4 =	sand.u32 $0x4000, s31;
	s1 =	sadd.s32 s1, s30  }
0xc9: {  	s0 =	sor.u32 s4, s0;
	s1 =	sshll.u32 s1, $0x11  }
0xca: {  	s0 =	sor.u32 s1, s0  }
0xcb: {  	s0 =	sadd.s32 $0x8F2B, s0  }
0xcc: {  	[sflag:s0] =	ssyncadd.remote.s32 $0x1  }
0xcd: {  	_ =	sfence.sel $0xFFFF  }
0xce: {  	[dreg:$0x0] =	wrdreg $0xFFFFFFFF;
	(pc) =	sbr.abs _section_cstart, $3  }
0xcf: {  	[dreg:$0x1] =	wrdreg $0xFFFFFFFF  }
0xd0: {  	_ =	task.clear_ibuf [dreg:s22], $0x2FFFF;
	_ =	strace $0x9FFFFFFF  }
0xd1: {  	(tm) =	ssettm $0x7FFFFFFF  }
tec
execute0_lowered:
.L_overlay_start_1:
0x0: {  	(tag) =	ssettag $0x1  }
0x1: {  	s6 =	rddreg [dreg:$0x0]  }
0x2: {  	s1 =	rddreg [dreg:$0x1];
	s2 =	srdreg.scid  }
0x3: {  	s0 =	rddreg [dreg:$0x2];
	s3 =	simm.s32 $0x0;
	s5 =	sand.u32 $0x1, s2  }
0x4: {  	s13 =	simm.s32 $0x50;
	s2 =	stileid.u32;
	s7 =	smul.u32 $0x13C000, s5  }
0x5: {  	s14 =	simm.s32 $0x0;
	[smem:$0x7FF] =	sst s3;
	s8 =	smul.u32 $0x13C00, s2  }
0x6: {  	_ =	strace $0x8000004A;
	s4 =	sshll.u32 s5, $0xB;
	s26 =	ssub.s32 $0x2, s5  }
0x7: {  	s10 =	smul.u32 $0x4F000, s2;
	s5 =	sadd.s32 $0x74400, s6;
	s30 =	sshll.u32 s2, $0xC  }
0x8: {  	s31 =	sshll.u32 s2, $0x6;
	s9 =	sadd.s32 s4, s6;
	s4 =	sadd.s32 $0x22C00, s6  }
0x9: {  	s28 =	sshrl.u32 s26, $0x1;
	s7 =	sadd.s32 s8, s7;
	s29 =	sshrl.u32 s10, $0x2  }
0xa: {  	s12 =	ssub.s32 s26, s28;
	s7 =	sshrl.u32 s7, $0x3;
	s10 =	sadd.s32 s29, s1  }
0xb: {  	s11 =	sadd.s32 s7, s6;
	s7 =	sadd.s32 s30, s9;
	s6 =	sor.u32 $0x1C01, s31  }
0xc: {  	s9 =	smax.u32 s12, $0x1;
	s10 =	sshrl.u32 s10, $0x3;
	s12 =	simm.s32 $0x4000  }
0xd: {  	s7 =	sadd.s32 $0x2C00, s7;
	s8 =	sadd.s32 $0x74A00, s11;
	s11 =	simm.s32 $0x1  }
.LBB2_1:
0xe: {  	[spmem:s10], [sflag:s6] =	dma.local [hbm:s4], $0x2780  }
0xf: {  	_ =	swait.ge [sflag:s11], $0x2780  }
0x10: {  	[sflag:s11] =	ssyncset.done $0x0  }
0x11: {  	[sflag:s11] =	ssyncadd.s32 $0xFFFFD880  }
0x12: {  	[tilespmem:s3], [sflag:$0x1] =	stream.linear.gather [hbm4b:s7+s3], $0x3E80, $0x38;
	[tilespmem:$0x1A400] =	vst v63  }
0x13: {  	_ =	swait.ge [sflag:s11], $0x3E80  }
0x14: {  	[sflag:s11] =	ssyncset.done $0x0  }
0x15: {  	[sflag:s11] =	ssyncadd.s32 $0xFFFFC180  }
0x16: {  	[tilespmem:s12], [sflag:$0x1] =	stream.linear.gather [hbm4b:s5+s3], $0x2800, $0x38;
	[tilespmem:$0x1A400] =	vst v63  }
0x17: {  	_ =	swait.ge [sflag:s11], $0x2800  }
0x18: {  	[sflag:s11] =	ssyncset.done $0x0  }
0x19: {  	[sflag:s11] =	ssyncadd.s32 $0xFFFFD800  }
0x1a: {  	s15 =	simm.s32 $0x0;
	[bflag:$0x0] =	sbarrier.arrive $0xFFFF  }
0x1b: {  	[spmem:s1] =	stream.indirect.scatter.add.f32 [tilespmem:s12], [sflag:$0x1], $0x80, s15, s13, $0xb8;
	[tilespmem:$0x1A400] =	vst v63  }
0x1c: {  	_ =	swait.ge [sflag:s11], $0x2800  }
0x1d: {  	s15 =	simm.s32 $0x200;
	[sflag:s11] =	ssyncset.done $0x0  }
.LBB2_2:
0x1e: {  	s16 =	sshra.s32 s15, $0x2;
	[sflag:s11] =	ssyncadd.s32 $0xFFFFD800;
	p0 =	sne.s32 s15, $0xF800  }
0x1f: {  	[spmem:s1] =	stream.indirect.scatter.add.f32 [tilespmem:s12], [sflag:$0x1], $0x80, s16, s13, $0xb8;
	[tilespmem:$0x1A400] =	vst v63  }
.Ltmp0:
0x20: {  	_ = 	snop;
	(pc) =	sbr.rel @p0 .LBB2_2-.Ltmp0, $4  }
0x21: {  	_ = 	snop  }
0x22: {  	s15 =	sadd.s32 $0x200, s15  }
0x23: {  	_ =	swait.ge [sflag:s11], $0x2800  }
0x24: {  	[sflag:s11] =	ssyncset.done $0x0  }
0x25: {  	s14 =	sadd.s32 $0x1, s14  }
0x26: {  	[sflag:s11] =	ssyncadd.s32 $0xFFFFD800;
	p0 =	sne.s32 s14, s9  }
.Ltmp1:
0x27: {  	[bflag:$0x0] =	sbarrier.arrive $0xFFFF;
	(pc) =	sbr.rel @p0 .LBB2_1-.Ltmp1, $4  }
0x28: {  	[hbm:s8], [sflag:s6] =	dma.local [spmem:s10], $0x2780  }
0x29: {  	_ =	swait.ge [sflag:s11], $0x2780  }
0x2a: {  	[sflag:s11] =	ssyncset.done $0x0  }
0x2b: {  	[sflag:s11] =	ssyncadd.s32 $0xFFFFD880  }
0x2c: {  	_ =	sfence.sel $0x180000  }
0x2d: {  	[bflag:$0x0] =	sbarrier.arrive $0xFFFF  }
0x2e: {  	p0 =	sne.s32 s2, $0x0;
	_ =	strace $0x9000004A  }
0x2f: {  	s0 =	sadd.s32 @!p0 $0x100000, s0;
	[bflag:$0x2] =	sbarrier.arrive $0xFFFF  }
0x30: {  	[sflag:s0] =	ssyncadd.tile.s32 @!p0 $0x1;
	_ =	shalt  }
.Lfunc_end2:
_tile_overlayer_lowered:
.L_overlay_start_2:
0x31: {  	(tag) =	ssettag $0x2  }
0x32: {  	s0 =	rddreg [dreg:$0x0];
	s2 =	stileid.u32  }
0x33: {  	s1 =	rddreg [dreg:$0x1];
	p0 =	sne.s32 s2, $0x0  }
0x34: {  	s3 =	rddreg [dreg:$0x2];
	[bflag:$0x3] =	sbarrier.arrive $0xFFFF;
	s2 =	simm.s32 @!p0 $0x1C01  }
0x35: {  	[timem:s3], [sflag:s2] =	dma.local @!p0 [hbm:s0], s1  }
0x36: {  	s0 =	simm.s32 @!p0 $0x1  }
0x37: {  	_ =	swait.ge @!p0 [sflag:s0], s1  }
0x38: {  	s1 =	ssub.s32 @!p0 $0x0, s1;
	[sflag:s0] =	ssyncset.done @!p0 $0x0  }
0x39: {  	[sflag:s0] =	ssyncadd.s32 @!p0 s1  }
0x3a: {  	[bflag:$0x3] =	sbarrier.arrive $0xFFFF  }
0x3b: {  	_ =	shalt  }

</sc_bundles>
